<compile_context>
chip_gen: v7x
topology: tpu7x:2x2x1
jax: 0.10.2.dev20260603
libtpu: 0.0.44.dev20260713+nightly
codegen_flags: <defaults>
</compile_context>

<pallas_src>
import functools

import jax
import jax.numpy as jnp
from jax import lax
from jax.experimental import pallas as pl
from jax.experimental.pallas import tpu as pltpu, tpu_sc as plsc

B = 320000
D = 128
H = 64
G = 10000
G_PAD = 10240
NC, NS = 2, 16
NW = NC * NS
RW = B // NW
CH = 128
NCHF = RW // CH
TAIL = RW - NCHF * CH
NCH = NCHF + 1
TRASH = G_PAD - 1
CCH = 64
GP_S = G_PAD // NS
EPS = 1e-6

_mesh = lambda: plsc.VectorSubcoreMesh(
    core_axis_name="c", subcore_axis_name="s", num_cores=NC, num_subcores=NS)

_f32 = jnp.float32
_i32 = jnp.int32


def _seg_sum(x3, lab3, zsum, zcnt):
    @functools.partial(
        pl.kernel,
        out_type=(jax.ShapeDtypeStruct((NC, G_PAD, D), _f32),
                  jax.ShapeDtypeStruct((NC, G_PAD), _f32)),
        mesh=_mesh(),
        compiler_params=pltpu.CompilerParams(needs_layout_passes=False, use_tc_tiling_on_sc=False),
        scratch_types=[
            pltpu.VMEM((1, CH), _i32),
            pltpu.VMEM((1, CH), _i32),
            pltpu.VMEM((CH, D), _f32),
            pltpu.VMEM((CH, D), _f32),
            pltpu.VMEM((CH, 16), _f32),
            pltpu.VMEM((CCH, 16), _f32),
            pltpu.VMEM((GP_S,), _f32),
            pltpu.VMEM_SHARED((G_PAD, D), _f32),
            pltpu.VMEM_SHARED((G_PAD, 16), _f32),
            pltpu.SemaphoreType.DMA,
            pltpu.SemaphoreType.DMA,
            pltpu.SemaphoreType.DMA,
            pltpu.SemaphoreType.DMA,
            pltpu.SemaphoreType.DMA,
            pltpu.SemaphoreType.DMA,
            pltpu.SemaphoreType.DMA,
            pltpu.SemaphoreType.DMA,
        ],
    )
    def seg(x_hbm, lab_hbm, zsum_hbm, zcnt_hbm, out_sums, out_counts,
            lr0, lr1, xb0, xb1, ones_v, c16_v, cc_v, sums_sh, cnt_sh,
            sx0, sx1, sl0, sl1, ss0, ss1, so0, so1):
        ci = lax.axis_index("c")
        si = lax.axis_index("s")
        wid = ci * NS + si
        zbase = si * GP_S

        def fire_stage(i, xb, sx, lr, sl):
            pltpu.make_async_copy(
                x_hbm.at[wid, pl.ds(i * CH, CH)], xb, sx).start()
            pltpu.make_async_copy(
                lab_hbm.at[wid, pl.ds(i, 1)], lr, sl).start()

        def wait_stage(xb, sx, lr, sl):
            pltpu.make_async_copy(
                x_hbm.at[wid, pl.ds(0, CH)], xb, sx).wait()
            pltpu.make_async_copy(
                lab_hbm.at[wid, pl.ds(0, 1)], lr, sl).wait()

        def fire_x(xb, lr, sem):
            pltpu.make_async_copy(
                xb, sums_sh.at[lr.at[0]], sem).start(add=True)

        def wait_x(xb, lr, sem):
            pltpu.make_async_copy(xb, sums_sh.at[lr.at[0]], sem).wait()

        def fire_o(lr, sem):
            pltpu.make_async_copy(
                ones_v, cnt_sh.at[lr.at[0]], sem).start(add=True)

        def wait_o(lr, sem):
            pltpu.make_async_copy(ones_v, cnt_sh.at[lr.at[0]], sem).wait()

        fire_stage(0, xb0, sx0, lr0, sl0)
        fire_stage(1, xb1, sx1, lr1, sl1)

        def orow(i, _):
            ones_v[i, :] = jnp.ones((16,), _f32)
            return 0
        lax.fori_loop(0, CH, orow, 0)

        pltpu.sync_copy(zsum_hbm.at[pl.ds(zbase, GP_S)],
                        sums_sh.at[pl.ds(zbase, GP_S)])
        pltpu.sync_copy(zcnt_hbm.at[pl.ds(zbase, GP_S)],
                        cnt_sh.at[pl.ds(zbase, GP_S)])
        plsc.subcore_barrier()

        def pair(p, _):
            i0 = 2 * p
            wait_stage(xb0, sx0, lr0, sl0)
            fire_x(xb0, lr0, ss0)
            fire_o(lr0, so0)

            @pl.when(p > 0)
            def _():
                wait_x(xb1, lr1, ss1)
                wait_o(lr1, so1)
                fire_stage(i0 + 1, xb1, sx1, lr1, sl1)
            wait_stage(xb1, sx1, lr1, sl1)
            fire_x(xb1, lr1, ss1)
            fire_o(lr1, so1)
            wait_x(xb0, lr0, ss0)
            wait_o(lr0, so0)

            @pl.when(i0 + 2 < NCHF)
            def _():
                fire_stage(i0 + 2, xb0, sx0, lr0, sl0)
            return 0
        lax.fori_loop(0, NCHF // 2, pair, 0)
        wait_x(xb1, lr1, ss1)
        wait_o(lr1, so1)
        pltpu.make_async_copy(
            x_hbm.at[wid, pl.ds(NCHF * CH, TAIL)],
            xb0.at[pl.ds(0, TAIL)], sx0).start()
        pltpu.make_async_copy(
            lab_hbm.at[wid, pl.ds(NCHF, 1)], lr0, sl0).start()
        pltpu.make_async_copy(
            x_hbm.at[wid, pl.ds(0, TAIL)], xb0.at[pl.ds(0, TAIL)], sx0).wait()
        pltpu.make_async_copy(
            lab_hbm.at[wid, pl.ds(0, 1)], lr0, sl0).wait()
        fire_x(xb0, lr0, ss0)
        fire_o(lr0, so0)
        wait_x(xb0, lr0, ss0)
        wait_o(lr0, so0)
        plsc.subcore_barrier()

        def cchunk(k, _):
            pltpu.sync_copy(cnt_sh.at[pl.ds(zbase + k * CCH, CCH)], c16_v)
            for j in range(CCH // 16):
                rows = lax.iota(_i32, 16) + j * 16
                lanes = jnp.zeros((16,), _i32)
                cc_v[pl.ds(k * CCH + j * 16, 16)] = plsc.load_gather(
                    c16_v, [rows, lanes])
            return 0
        lax.fori_loop(0, GP_S // CCH, cchunk, 0)
        pltpu.sync_copy(cc_v, out_counts.at[ci, pl.ds(zbase, GP_S)])

        def wchunk(k, _):
            pltpu.sync_copy(sums_sh.at[pl.ds(zbase + k * CH, CH)], xb0)
            pltpu.sync_copy(xb0, out_sums.at[ci, pl.ds(zbase + k * CH, CH)])
            return 0
        lax.fori_loop(0, GP_S // CH, wchunk, 0)

    return seg(x3, lab3, zsum, zcnt)


def _dot_t(a, w):
    return lax.dot_general(a, w, (((1,), (1,)), ((), ())),
                           preferred_element_type=_f32,
                           precision=lax.Precision.HIGHEST)


def _silu(x):
    return x * (1.0 / (1.0 + jnp.exp(-x)))


def _mlp_body(ps_ref, pc_ref, w1, b1, w2, b2, wa, ba, wb, bb,
              a_ref, b_ref, c_ref):
    sums = ps_ref[0] + ps_ref[1]
    cnt = pc_ref[0] + pc_ref[1]
    feat = sums / jnp.maximum(cnt, 1.0)
    h = _silu(_dot_t(feat, w1[...]) + b1[...])
    h = _silu(_dot_t(h, w2[...]) + b2[...])
    a_pre = jnp.sum(h * wa[...], axis=1, keepdims=True) + ba[0, 0]
    b_pre = jnp.sum(h * wb[...], axis=1, keepdims=True) + bb[0, 0]
    a_ref[...] = jax.nn.softplus(a_pre) + EPS
    b_ref[...] = jax.nn.softplus(b_pre) + EPS
    c_ref[...] = cnt


def _mlp(psums, pcounts, W1, b1, W2, b2, Wa, ba, Wb, bb):
    R = 2048
    grid = (G_PAD // R,)
    zero2 = lambda i: (0, 0)
    return pl.pallas_call(
        _mlp_body,
        grid=grid,
        in_specs=[
            pl.BlockSpec((NC, R, D), lambda i: (0, i, 0)),
            pl.BlockSpec((NC, R, 1), lambda i: (0, i, 0)),
            pl.BlockSpec((H, D), zero2),
            pl.BlockSpec((1, H), zero2),
            pl.BlockSpec((H, H), zero2),
            pl.BlockSpec((1, H), zero2),
            pl.BlockSpec((1, H), zero2),
            pl.BlockSpec((1, 1), zero2),
            pl.BlockSpec((1, H), zero2),
            pl.BlockSpec((1, 1), zero2),
        ],
        out_specs=[
            pl.BlockSpec((R, 1), lambda i: (i, 0)),
            pl.BlockSpec((R, 1), lambda i: (i, 0)),
            pl.BlockSpec((R, 1), lambda i: (i, 0)),
        ],
        out_shape=[jax.ShapeDtypeStruct((G_PAD, 1), _f32)] * 3,
    )(psums, pcounts, W1, b1, W2, b2, Wa, ba, Wb, bb)


def _compact(ctot, alpha_bl, beta_bl):
    @functools.partial(
        pl.kernel,
        out_type=(jax.ShapeDtypeStruct((G,), _f32),
                  jax.ShapeDtypeStruct((G,), _f32),
                  jax.ShapeDtypeStruct((G_PAD,), _i32)),
        mesh=_mesh(),
        compiler_params=pltpu.CompilerParams(needs_layout_passes=False, use_tc_tiling_on_sc=False),
        scratch_types=[
            pltpu.VMEM((G_PAD,), _f32),
            pltpu.VMEM((G_PAD,), _f32),
            pltpu.VMEM((G_PAD,), _f32),
            pltpu.VMEM((G_PAD,), _i32),
            pltpu.VMEM((G_PAD,), _f32),
            pltpu.VMEM((G_PAD,), _f32),
        ],
    )
    def comp(c_hbm, a_hbm, b_hbm, alpha_out, beta_out, pres_out,
             c_v, a_v, b_v, pres_v, ao_v, bo_v):
        ci = lax.axis_index("c")
        si = lax.axis_index("s")

        @pl.when(jnp.logical_and(ci == 0, si == 0))
        def _():
            pltpu.sync_copy(c_hbm, c_v)
            pltpu.sync_copy(a_hbm, a_v)
            pltpu.sync_copy(b_hbm, b_v)

            def init(j, _):
                pres_v[pl.ds(j * 16, 16)] = jnp.full((16,), G, _i32)
                return 0
            lax.fori_loop(0, G_PAD // 16, init, 0)

            def scat(j, off):
                cv = c_v[pl.ds(j * 16, 16)]
                m = cv > 0.0
                mi = m.astype(_i32)
                r = plsc.cumsum(mi) + (off - 1)
                gv = lax.iota(_i32, 16) + j * 16
                plsc.store_scatter(pres_v, [r], gv, mask=m)
                return off + jnp.sum(mi)
            lax.fori_loop(0, G // 16, scat, jnp.int32(0))

            def gath(j, _):
                pi = pres_v[pl.ds(j * 16, 16)]
                ao_v[pl.ds(j * 16, 16)] = plsc.load_gather(a_v, [pi])
                bo_v[pl.ds(j * 16, 16)] = plsc.load_gather(b_v, [pi])
                return 0
            lax.fori_loop(0, G // 16, gath, 0)

            pltpu.sync_copy(ao_v.at[pl.ds(0, G)], alpha_out)
            pltpu.sync_copy(bo_v.at[pl.ds(0, G)], beta_out)
            pltpu.sync_copy(pres_v, pres_out)

    return comp(ctot, alpha_bl, beta_bl)


def _gather_tau(tau_group, pres_idx, lab2):
    @functools.partial(
        pl.kernel,
        out_type=jax.ShapeDtypeStruct((NW, RW), _f32),
        mesh=_mesh(),
        compiler_params=pltpu.CompilerParams(needs_layout_passes=False, use_tc_tiling_on_sc=False),
        scratch_types=[
            pltpu.VMEM((G,), _f32),
            pltpu.VMEM((G_PAD,), _i32),
            pltpu.VMEM((G_PAD,), _f32),
            pltpu.VMEM((RW,), _i32),
            pltpu.VMEM((RW,), _f32),
        ],
    )
    def taug(tau_hbm, pres_hbm, lab_hbm, out_hbm,
             tau_v, pres_v, tbl_v, lab_v, out_v):
        ci = lax.axis_index("c")
        si = lax.axis_index("s")
        wid = ci * NS + si
        pltpu.sync_copy(tau_hbm, tau_v)
        pltpu.sync_copy(pres_hbm, pres_v)
        pltpu.sync_copy(lab_hbm.at[wid], lab_v)

        def scat(j, _):
            pi = pres_v[pl.ds(j * 16, 16)]
            tg = tau_v[pl.ds(j * 16, 16)]
            plsc.store_scatter(tbl_v, [pi], tg, mask=pi < G_PAD)
            return 0
        lax.fori_loop(0, G // 16, scat, 0)

        def gath(j, _):
            lv = lab_v[pl.ds(j * 16, 16)]
            out_v[pl.ds(j * 16, 16)] = plsc.load_gather(tbl_v, [lv])
            return 0
        lax.fori_loop(0, RW // 16, gath, 0)

        pltpu.sync_copy(out_v, out_hbm.at[wid])

    return taug(tau_group, pres_idx, lab2)


def kernel(x_intensity, group_labels, W1, b1, W2, b2, Wa, ba, Wb, bb):
    labels = group_labels.astype(_i32)
    x3 = x_intensity.reshape(NW, RW, D)
    lab3 = jnp.concatenate(
        [labels.reshape(NW, RW),
         jnp.full((NW, NCH * CH - RW), TRASH, _i32)], axis=1,
    ).reshape(NW, NCH, CH)

    zsum = jnp.zeros((G_PAD, D), _f32)
    zcnt = jnp.zeros((G_PAD, 16), _f32)
    psums, pcounts = _seg_sum(x3, lab3, zsum, zcnt)
    alpha_bl, beta_bl, ctot = _mlp(
        psums, pcounts.reshape(NC, G_PAD, 1),
        W1, b1.reshape(1, H), W2, b2.reshape(1, H),
        Wa, ba.reshape(1, 1), Wb, bb.reshape(1, 1))

    alpha, beta, pres_idx = _compact(
        ctot.reshape(G_PAD), alpha_bl.reshape(G_PAD), beta_bl.reshape(G_PAD))

    gamma_std = jax.random.gamma(jax.random.key(42), alpha)
    tau_group = gamma_std / beta

    tau = _gather_tau(tau_group, pres_idx, labels.reshape(NW, RW))
    return alpha, beta, tau.reshape(B, 1)

# --- scband reference (transcript-rebuilt; emitter-appended) ---
"""Pipeline reference for scband-group-encoder-22806276342098 (READ-ONLY COPY).

The authoritative reference and input builder live on the scoring server;
editing this copy changes nothing except your own understanding.
"""

import jax, jax.numpy as jnp
import numpy as np

B = 320000
D = 128
H = 64
G = 10000

def _lin(k, fan_in, fan_out):
    lim = 1.0 / np.sqrt(fan_in)
    kw, kb = jax.random.split(k)
    W = jax.random.uniform(kw, (fan_out, fan_in), minval=-lim, maxval=lim, dtype=jnp.float32)
    b = jax.random.uniform(kb, (fan_out,), minval=-lim, maxval=lim, dtype=jnp.float32)
    return W, b

def setup_inputs(seed: int = 0) -> dict:
    key = jax.random.key(seed)
    ks = jax.random.split(key, 6)
    x = jax.random.normal(ks[0], (B, D), dtype=jnp.float32)
    labels = jnp.sort(jax.random.randint(ks[1], (B,), 0, G, dtype=jnp.int64))
    W1, b1 = _lin(ks[2], D, H)
    W2, b2 = _lin(ks[3], H, H)
    Wa, ba = _lin(ks[4], H, 1)
    Wb, bb = _lin(ks[5], H, 1)
    return {"x_intensity": x, "group_labels": labels, "W1": W1, "b1": b1, "W2": W2, "b2": b2, "Wa": Wa, "ba": ba, "Wb": Wb, "bb": bb}

def reference(x_intensity, group_labels, W1, b1, W2, b2, Wa, ba, Wb, bb):
    eps = 1e-06
    unique_groups, inverse = jnp.unique(group_labels, return_inverse=True, size=G, fill_value=0)
    n_groups = unique_groups.shape[0]
    group_sum = jax.ops.segment_sum(x_intensity, inverse, num_segments=n_groups)
    group_count = jax.ops.segment_sum(jnp.ones((x_intensity.shape[0],), dtype=x_intensity.dtype), inverse, num_segments=n_groups)
    group_features = group_sum / jnp.maximum(group_count, 1.0)[:, None]
    h = jax.nn.silu(group_features @ W1.T + b1)
    h = jax.nn.silu(h @ W2.T + b2)
    alpha = jax.nn.softplus(h @ Wa.T + ba).squeeze(-1) + eps
    beta = jax.nn.softplus(h @ Wb.T + bb).squeeze(-1) + eps
    # Gamma(alpha, rate=beta) reparameterized sample (matches torch Gamma.rsample up to RNG)
    gkey = jax.random.key(42)
    gamma_std = jax.random.gamma(gkey, alpha)
    tau_group = gamma_std / beta
    tau_per_refl = tau_group[inverse][:, None]
    return alpha, beta, tau_per_refl

if __name__ == "__main__":
    import jax
    _d = setup_inputs()
    print(jax.jit(kernel)(*tuple(_d.values())))

</pallas_src>

<mosaic_0001>
#map = affine_map<(d0, d1) -> (0)>
#map1 = affine_map<(d0, d1) -> (0, 0)>
module attributes {stable_mosaic.version = 14 : i64} {
  func.func @taug(%arg0: i32, %arg1: i32, %arg2: memref<10000xf32, #tpu.memory_space<hbm>>, %arg3: memref<10240xi32, #tpu.memory_space<hbm>>, %arg4: memref<32x10000xi32, #tpu.memory_space<hbm>>, %arg5: memref<32x10000xf32, #tpu.memory_space<hbm>>, %arg6: memref<10000xf32, #tpu.memory_space<vmem>>, %arg7: memref<10240xi32, #tpu.memory_space<vmem>>, %arg8: memref<10240xf32, #tpu.memory_space<vmem>>, %arg9: memref<10000xi32, #tpu.memory_space<vmem>>, %arg10: memref<10000xf32, #tpu.memory_space<vmem>>) attributes {dimension_semantics = [#tpu.dimension_semantics<core_parallel>, #tpu.dimension_semantics<subcore_parallel>], iteration_bounds = array<i64: 2, 16>, scalar_prefetch = 0 : i64, scratch_operands = 5 : i64, tpu.core_type = #tpu.core_type<sc_vector_subcore>, window_params = [{transform_indices = #map}, {transform_indices = #map}, {transform_indices = #map1}, {transform_indices = #map1}]} {
    %mul3A = arith.constant 16 : i32
    %mul3A_0 = arith.muli %arg0, %mul3A : i32
    %add3A = arith.addi %mul3A_0, %arg1 : i32
    "tpu.region"() ({
      %run_scoped3A = tpu.sem_alloc : memref<!tpu.dma_semaphore, #tpu.memory_space<semaphore_mem>>
      tpu.enqueue_dma source(%arg2 : memref<10000xf32, #tpu.memory_space<hbm>>) target(%arg6 : memref<10000xf32, #tpu.memory_space<vmem>>) target_semaphore(%run_scoped3A : memref<!tpu.dma_semaphore, #tpu.memory_space<semaphore_mem>>)
      tpu.wait_dma2 semaphore(%run_scoped3A : memref<!tpu.dma_semaphore, #tpu.memory_space<semaphore_mem>>) src(%arg2 : memref<10000xf32, #tpu.memory_space<hbm>>) dst(%arg6 : memref<10000xf32, #tpu.memory_space<vmem>>)
      tpu.yield
    }) : () -> ()
    "tpu.region"() ({
      %run_scoped3A = tpu.sem_alloc : memref<!tpu.dma_semaphore, #tpu.memory_space<semaphore_mem>>
      tpu.enqueue_dma source(%arg3 : memref<10240xi32, #tpu.memory_space<hbm>>) target(%arg7 : memref<10240xi32, #tpu.memory_space<vmem>>) target_semaphore(%run_scoped3A : memref<!tpu.dma_semaphore, #tpu.memory_space<semaphore_mem>>)
      tpu.wait_dma2 semaphore(%run_scoped3A : memref<!tpu.dma_semaphore, #tpu.memory_space<semaphore_mem>>) src(%arg3 : memref<10240xi32, #tpu.memory_space<hbm>>) dst(%arg7 : memref<10240xi32, #tpu.memory_space<vmem>>)
      tpu.yield
    }) : () -> ()
    "tpu.region"() ({
      %run_scoped3A = tpu.sem_alloc : memref<!tpu.dma_semaphore, #tpu.memory_space<semaphore_mem>>
      %dma_start3A = arith.constant 0 : i32
      %dma_start3A_14 = tpu.memref_slice %arg4[%add3A, %dma_start3A] : memref<32x10000xi32, #tpu.memory_space<hbm>> -> memref<1x10000xi32, #tpu.memory_space<hbm>>
      %dma_start3A_15 = tpu.memref_squeeze %dma_start3A_14 : memref<1x10000xi32, #tpu.memory_space<hbm>> -> memref<10000xi32, #tpu.memory_space<hbm>>
      %dma_start3A_16 = arith.constant 0 : i32
      %dma_start3A_17 = tpu.memref_slice %arg4[%add3A, %dma_start3A_16] : memref<32x10000xi32, #tpu.memory_space<hbm>> -> memref<1x10000xi32, #tpu.memory_space<hbm>>
      %dma_start3A_18 = tpu.memref_squeeze %dma_start3A_17 : memref<1x10000xi32, #tpu.memory_space<hbm>> -> memref<10000xi32, #tpu.memory_space<hbm>>
      tpu.enqueue_dma source(%dma_start3A_18 : memref<10000xi32, #tpu.memory_space<hbm>>) target(%arg9 : memref<10000xi32, #tpu.memory_space<vmem>>) target_semaphore(%run_scoped3A : memref<!tpu.dma_semaphore, #tpu.memory_space<semaphore_mem>>)
      %dma_wait3A = arith.constant 0 : i32
      %dma_wait3A_19 = tpu.memref_slice %arg4[%add3A, %dma_wait3A] : memref<32x10000xi32, #tpu.memory_space<hbm>> -> memref<1x10000xi32, #tpu.memory_space<hbm>>
      %dma_wait3A_20 = tpu.memref_squeeze %dma_wait3A_19 : memref<1x10000xi32, #tpu.memory_space<hbm>> -> memref<10000xi32, #tpu.memory_space<hbm>>
      %dma_wait3A_21 = arith.constant 0 : i32
      %dma_wait3A_22 = tpu.memref_slice %arg4[%add3A, %dma_wait3A_21] : memref<32x10000xi32, #tpu.memory_space<hbm>> -> memref<1x10000xi32, #tpu.memory_space<hbm>>
      %dma_wait3A_23 = tpu.memref_squeeze %dma_wait3A_22 : memref<1x10000xi32, #tpu.memory_space<hbm>> -> memref<10000xi32, #tpu.memory_space<hbm>>
      tpu.wait_dma2 semaphore(%run_scoped3A : memref<!tpu.dma_semaphore, #tpu.memory_space<semaphore_mem>>) src(%dma_wait3A_23 : memref<10000xi32, #tpu.memory_space<hbm>>) dst(%arg9 : memref<10000xi32, #tpu.memory_space<vmem>>)
      tpu.yield
    }) : () -> ()
    %scan3A = arith.constant 0 : i32
    %scan3A_1 = arith.constant 0 : i32
    %scan3A_2 = arith.constant 625 : i32
    %scan3A_3 = arith.addi %scan3A_1, %scan3A_2 : i32
    %scan3A_4 = arith.constant 1 : i32
    %scan3A_5 = scf.for %scan3A_14 = %scan3A_1 to %scan3A_3 step %scan3A_4 iter_args(%scan3A_15 = %scan3A) -> (i32)  : i32 {
      %mul3A_16 = arith.constant 16 : i32
      %mul3A_17 = arith.muli %scan3A_14, %mul3A_16 : i32
      %get3A = arith.index_cast %mul3A_17 : i32 to index
      %get3A_18 = tpu.vector_load %arg7[%get3A] {strides = array<i32>} : memref<10240xi32, #tpu.memory_space<vmem>>, vector<16xi32>,
      %mul3A_19 = arith.constant 16 : i32
      %mul3A_20 = arith.muli %scan3A_14, %mul3A_19 : i32
      %get3A_21 = arith.index_cast %mul3A_20 : i32 to index
      %get3A_22 = tpu.vector_load %arg6[%get3A_21] {strides = array<i32>} : memref<10000xf32, #tpu.memory_space<vmem>>, vector<16xf32>,
      %lt3A = arith.constant 10240 : i32
      %lt3A_23 = vector.broadcast %lt3A : i32 to vector<16xi32>
      %lt3A_24 = arith.cmpi slt, %get3A_18, %lt3A_23 : vector<16xi32>
      tpu.vector_store_idx %arg8[%get3A_18], %get3A_22 masked %lt3A_24 : memref<10240xf32, #tpu.memory_space<vmem>>[vector<16xi32>], vector<16xf32>, vector<16xi1>
      %scan3A_25 = arith.constant 0 : i32
      scf.yield %scan3A_25 : i32
    }
    %scan3A_6 = arith.constant 625 : i32
    %scan3A_7 = arith.constant 0 : i32
    %scan3A_8 = arith.constant 0 : i32
    %scan3A_9 = arith.constant 625 : i32
    %scan3A_10 = arith.addi %scan3A_8, %scan3A_9 : i32
    %scan3A_11 = arith.constant 1 : i32
    %scan3A_12 = scf.for %scan3A_14 = %scan3A_8 to %scan3A_10 step %scan3A_11 iter_args(%scan3A_15 = %scan3A_7) -> (i32)  : i32 {
      %mul3A_16 = arith.constant 16 : i32
      %mul3A_17 = arith.muli %scan3A_14, %mul3A_16 : i32
      %get3A = arith.index_cast %mul3A_17 : i32 to index
      %get3A_18 = tpu.vector_load %arg9[%get3A] {strides = array<i32>} : memref<10000xi32, #tpu.memory_space<vmem>>, vector<16xi32>,
      %gather3A = tpu.vector_load_idx %arg8[%get3A_18] : memref<10240xf32, #tpu.memory_space<vmem>>[vector<16xi32>], vector<16xf32>,
      %mul3A_19 = arith.constant 16 : i32
      %mul3A_20 = arith.muli %scan3A_14, %mul3A_19 : i32
      %swap3A = arith.index_cast %mul3A_20 : i32 to index
      %swap3A_21 = tpu.vector_load %arg10[%swap3A] {strides = array<i32>} : memref<10000xf32, #tpu.memory_space<vmem>>, vector<16xf32>,
      tpu.vector_store %arg10[%swap3A], %gather3A {strides = array<i32>} : memref<10000xf32, #tpu.memory_space<vmem>>, vector<16xf32>,
      %scan3A_22 = arith.constant 0 : i32
      scf.yield %scan3A_22 : i32
    }
    %scan3A_13 = arith.constant 625 : i32
    "tpu.region"() ({
      %run_scoped3A = tpu.sem_alloc : memref<!tpu.dma_semaphore, #tpu.memory_space<semaphore_mem>>
      %dma_start3A = arith.constant 0 : i32
      %dma_start3A_14 = tpu.memref_slice %arg5[%add3A, %dma_start3A] : memref<32x10000xf32, #tpu.memory_space<hbm>> -> memref<1x10000xf32, #tpu.memory_space<hbm>>
      %dma_start3A_15 = tpu.memref_squeeze %dma_start3A_14 : memref<1x10000xf32, #tpu.memory_space<hbm>> -> memref<10000xf32, #tpu.memory_space<hbm>>
      %dma_start3A_16 = arith.constant 0 : i32
      %dma_start3A_17 = tpu.memref_slice %arg5[%add3A, %dma_start3A_16] : memref<32x10000xf32, #tpu.memory_space<hbm>> -> memref<1x10000xf32, #tpu.memory_space<hbm>>
      %dma_start3A_18 = tpu.memref_squeeze %dma_start3A_17 : memref<1x10000xf32, #tpu.memory_space<hbm>> -> memref<10000xf32, #tpu.memory_space<hbm>>
      tpu.enqueue_dma source(%arg10 : memref<10000xf32, #tpu.memory_space<vmem>>) target(%dma_start3A_18 : memref<10000xf32, #tpu.memory_space<hbm>>) target_semaphore(%run_scoped3A : memref<!tpu.dma_semaphore, #tpu.memory_space<semaphore_mem>>)
      %dma_wait3A = arith.constant 0 : i32
      %dma_wait3A_19 = tpu.memref_slice %arg5[%add3A, %dma_wait3A] : memref<32x10000xf32, #tpu.memory_space<hbm>> -> memref<1x10000xf32, #tpu.memory_space<hbm>>
      %dma_wait3A_20 = tpu.memref_squeeze %dma_wait3A_19 : memref<1x10000xf32, #tpu.memory_space<hbm>> -> memref<10000xf32, #tpu.memory_space<hbm>>
      %dma_wait3A_21 = arith.constant 0 : i32
      %dma_wait3A_22 = tpu.memref_slice %arg5[%add3A, %dma_wait3A_21] : memref<32x10000xf32, #tpu.memory_space<hbm>> -> memref<1x10000xf32, #tpu.memory_space<hbm>>
      %dma_wait3A_23 = tpu.memref_squeeze %dma_wait3A_22 : memref<1x10000xf32, #tpu.memory_space<hbm>> -> memref<10000xf32, #tpu.memory_space<hbm>>
      tpu.wait_dma2 semaphore(%run_scoped3A : memref<!tpu.dma_semaphore, #tpu.memory_space<semaphore_mem>>) src(%arg10 : memref<10000xf32, #tpu.memory_space<vmem>>) dst(%dma_wait3A_23 : memref<10000xf32, #tpu.memory_space<hbm>>)
      tpu.yield
    }) : () -> ()
    return
  }
}

#map = affine_map<(d0, d1) -> (0)>
module attributes {stable_mosaic.version = 14 : i64} {
  func.func @comp(%arg0: i32, %arg1: i32, %arg2: memref<10240xf32, #tpu.memory_space<hbm>>, %arg3: memref<10240xf32, #tpu.memory_space<hbm>>, %arg4: memref<10240xf32, #tpu.memory_space<hbm>>, %arg5: memref<10000xf32, #tpu.memory_space<hbm>>, %arg6: memref<10000xf32, #tpu.memory_space<hbm>>, %arg7: memref<10240xi32, #tpu.memory_space<hbm>>, %arg8: memref<10240xf32, #tpu.memory_space<vmem>>, %arg9: memref<10240xf32, #tpu.memory_space<vmem>>, %arg10: memref<10240xf32, #tpu.memory_space<vmem>>, %arg11: memref<10240xi32, #tpu.memory_space<vmem>>, %arg12: memref<10240xf32, #tpu.memory_space<vmem>>, %arg13: memref<10240xf32, #tpu.memory_space<vmem>>) attributes {dimension_semantics = [#tpu.dimension_semantics<core_parallel>, #tpu.dimension_semantics<subcore_parallel>], iteration_bounds = array<i64: 2, 16>, scalar_prefetch = 0 : i64, scratch_operands = 6 : i64, tpu.core_type = #tpu.core_type<sc_vector_subcore>, window_params = [{transform_indices = #map}, {transform_indices = #map}, {transform_indices = #map}, {transform_indices = #map}, {transform_indices = #map}, {transform_indices = #map}]} {
    %eq3A = arith.constant 0 : i32
    %eq3A_0 = arith.cmpi eq, %arg0, %eq3A : i32
    %eq3A_1 = arith.constant 0 : i32
    %eq3A_2 = arith.cmpi eq, %arg1, %eq3A_1 : i32
    %and3A = arith.andi %eq3A_0, %eq3A_2 : i1
    %convert_element_type3A = arith.extui %and3A : i1 to i32
    %cond3A = arith.constant 0 : i32
    %cond3A_3 = arith.cmpi ne, %convert_element_type3A, %cond3A : i32
    scf.if %cond3A_3 {
      "tpu.region"() ({
        %run_scoped3A = tpu.sem_alloc : memref<!tpu.dma_semaphore, #tpu.memory_space<semaphore_mem>>
        tpu.enqueue_dma source(%arg2 : memref<10240xf32, #tpu.memory_space<hbm>>) target(%arg8 : memref<10240xf32, #tpu.memory_space<vmem>>) target_semaphore(%run_scoped3A : memref<!tpu.dma_semaphore, #tpu.memory_space<semaphore_mem>>)
        tpu.wait_dma2 semaphore(%run_scoped3A : memref<!tpu.dma_semaphore, #tpu.memory_space<semaphore_mem>>) src(%arg2 : memref<10240xf32, #tpu.memory_space<hbm>>) dst(%arg8 : memref<10240xf32, #tpu.memory_space<vmem>>)
        tpu.yield
      }) : () -> ()
      "tpu.region"() ({
        %run_scoped3A = tpu.sem_alloc : memref<!tpu.dma_semaphore, #tpu.memory_space<semaphore_mem>>
        tpu.enqueue_dma source(%arg3 : memref<10240xf32, #tpu.memory_space<hbm>>) target(%arg9 : memref<10240xf32, #tpu.memory_space<vmem>>) target_semaphore(%run_scoped3A : memref<!tpu.dma_semaphore, #tpu.memory_space<semaphore_mem>>)
        tpu.wait_dma2 semaphore(%run_scoped3A : memref<!tpu.dma_semaphore, #tpu.memory_space<semaphore_mem>>) src(%arg3 : memref<10240xf32, #tpu.memory_space<hbm>>) dst(%arg9 : memref<10240xf32, #tpu.memory_space<vmem>>)
        tpu.yield
      }) : () -> ()
      "tpu.region"() ({
        %run_scoped3A = tpu.sem_alloc : memref<!tpu.dma_semaphore, #tpu.memory_space<semaphore_mem>>
        tpu.enqueue_dma source(%arg4 : memref<10240xf32, #tpu.memory_space<hbm>>) target(%arg10 : memref<10240xf32, #tpu.memory_space<vmem>>) target_semaphore(%run_scoped3A : memref<!tpu.dma_semaphore, #tpu.memory_space<semaphore_mem>>)
        tpu.wait_dma2 semaphore(%run_scoped3A : memref<!tpu.dma_semaphore, #tpu.memory_space<semaphore_mem>>) src(%arg4 : memref<10240xf32, #tpu.memory_space<hbm>>) dst(%arg10 : memref<10240xf32, #tpu.memory_space<vmem>>)
        tpu.yield
      }) : () -> ()
      %scan3A = arith.constant 0 : i32
      %scan3A_4 = arith.constant 0 : i32
      %scan3A_5 = arith.constant 640 : i32
      %scan3A_6 = arith.addi %scan3A_4, %scan3A_5 : i32
      %scan3A_7 = arith.constant 1 : i32
      %scan3A_8 = scf.for %scan3A_24 = %scan3A_4 to %scan3A_6 step %scan3A_7 iter_args(%scan3A_25 = %scan3A) -> (i32)  : i32 {
        %broadcast_in_dim3A = arith.constant 10000 : i32
        %broadcast_in_dim3A_26 = vector.broadcast %broadcast_in_dim3A : i32 to vector<16xi32>
        %mul3A = arith.constant 16 : i32
        %mul3A_27 = arith.muli %scan3A_24, %mul3A : i32
        %swap3A = arith.index_cast %mul3A_27 : i32 to index
        %swap3A_28 = tpu.vector_load %arg11[%swap3A] {strides = array<i32>} : memref<10240xi32, #tpu.memory_space<vmem>>, vector<16xi32>,
        tpu.vector_store %arg11[%swap3A], %broadcast_in_dim3A_26 {strides = array<i32>} : memref<10240xi32, #tpu.memory_space<vmem>>, vector<16xi32>,
        %scan3A_29 = arith.constant 0 : i32
        scf.yield %scan3A_29 : i32
      }
      %scan3A_9 = arith.constant 640 : i32
      %scan3A_10 = arith.constant 0 : i32
      %scan3A_11 = arith.constant 0 : i32
      %scan3A_12 = arith.constant 625 : i32
      %scan3A_13 = arith.addi %scan3A_11, %scan3A_12 : i32
      %scan3A_14 = arith.constant 1 : i32
      %scan3A_15 = scf.for %scan3A_24 = %scan3A_11 to %scan3A_13 step %scan3A_14 iter_args(%scan3A_25 = %scan3A_10) -> (i32)  : i32 {
        %mul3A = arith.constant 16 : i32
        %mul3A_26 = arith.muli %scan3A_24, %mul3A : i32
        %get3A = arith.index_cast %mul3A_26 : i32 to index
        %get3A_27 = tpu.vector_load %arg8[%get3A] {strides = array<i32>} : memref<10240xf32, #tpu.memory_space<vmem>>, vector<16xf32>,
        %gt3A = arith.constant 0.000000e+00 : f32
        %gt3A_28 = vector.broadcast %gt3A : f32 to vector<16xf32>
        %gt3A_29 = arith.cmpf ogt, %get3A_27, %gt3A_28 : vector<16xf32>
        %convert_element_type3A_30 = arith.extui %gt3A_29 : vector<16xi1> to vector<16xi32>
        %broadcast_in_dim3A = arith.constant true
        %broadcast_in_dim3A_31 = vector.broadcast %broadcast_in_dim3A : i1 to vector<16xi1>
        %masked_cumsum3A = tpu.scan <sum>, %convert_element_type3A_30 masked %broadcast_in_dim3A_31 : vector<16xi32>, vector<16xi1> -> vector<16xi32>
        %sub3A = arith.constant 1 : i32
        %sub3A_32 = arith.subi %scan3A_25, %sub3A : i32
        %add3A = vector.broadcast %sub3A_32 : i32 to vector<16xi32>
        %add3A_33 = arith.addi %masked_cumsum3A, %add3A : vector<16xi32>
        %iota3A = tpu.iota {dimensions = array<i32: 0>} : vector<16xi32>
        %mul3A_34 = arith.constant 16 : i32
        %mul3A_35 = arith.muli %scan3A_24, %mul3A_34 : i32
        %add3A_36 = vector.broadcast %mul3A_35 : i32 to vector<16xi32>
        %add3A_37 = arith.addi %iota3A, %add3A_36 : vector<16xi32>
        tpu.vector_store_idx %arg11[%add3A_33], %add3A_37 masked %gt3A_29 : memref<10240xi32, #tpu.memory_space<vmem>>[vector<16xi32>], vector<16xi32>, vector<16xi1>
        %reduce_sum3A = arith.constant true
        %reduce_sum3A_38 = vector.broadcast %reduce_sum3A : i1 to vector<16xi1>
        %reduce_sum3A_39 = tpu.scan <sum>, %convert_element_type3A_30 masked %reduce_sum3A_38 : vector<16xi32>, vector<16xi1> -> vector<16xi32>
        %reduce_sum3A_40 = vector.extract %reduce_sum3A_39[15] : i32 from vector<16xi32>
        %add3A_41 = arith.addi %scan3A_25, %reduce_sum3A_40 : i32
        scf.yield %add3A_41 : i32
      }
      %scan3A_16 = arith.constant 625 : i32
      %scan3A_17 = arith.constant 0 : i32
      %scan3A_18 = arith.constant 0 : i32
      %scan3A_19 = arith.constant 625 : i32
      %scan3A_20 = arith.addi %scan3A_18, %scan3A_19 : i32
      %scan3A_21 = arith.constant 1 : i32
      %scan3A_22 = scf.for %scan3A_24 = %scan3A_18 to %scan3A_20 step %scan3A_21 iter_args(%scan3A_25 = %scan3A_17) -> (i32)  : i32 {
        %mul3A = arith.constant 16 : i32
        %mul3A_26 = arith.muli %scan3A_24, %mul3A : i32
        %get3A = arith.index_cast %mul3A_26 : i32 to index
        %get3A_27 = tpu.vector_load %arg11[%get3A] {strides = array<i32>} : memref<10240xi32, #tpu.memory_space<vmem>>, vector<16xi32>,
        %gather3A = tpu.vector_load_idx %arg9[%get3A_27] : memref<10240xf32, #tpu.memory_space<vmem>>[vector<16xi32>], vector<16xf32>,
        %mul3A_28 = arith.constant 16 : i32
        %mul3A_29 = arith.muli %scan3A_24, %mul3A_28 : i32
        %swap3A = arith.index_cast %mul3A_29 : i32 to index
        %swap3A_30 = tpu.vector_load %arg12[%swap3A] {strides = array<i32>} : memref<10240xf32, #tpu.memory_space<vmem>>, vector<16xf32>,
        tpu.vector_store %arg12[%swap3A], %gather3A {strides = array<i32>} : memref<10240xf32, #tpu.memory_space<vmem>>, vector<16xf32>,
        %gather3A_31 = tpu.vector_load_idx %arg10[%get3A_27] : memref<10240xf32, #tpu.memory_space<vmem>>[vector<16xi32>], vector<16xf32>,
        %mul3A_32 = arith.constant 16 : i32
        %mul3A_33 = arith.muli %scan3A_24, %mul3A_32 : i32
        %swap3A_34 = arith.index_cast %mul3A_33 : i32 to index
        %swap3A_35 = tpu.vector_load %arg13[%swap3A_34] {strides = array<i32>} : memref<10240xf32, #tpu.memory_space<vmem>>, vector<16xf32>,
        tpu.vector_store %arg13[%swap3A_34], %gather3A_31 {strides = array<i32>} : memref<10240xf32, #tpu.memory_space<vmem>>, vector<16xf32>,
        %scan3A_36 = arith.constant 0 : i32
        scf.yield %scan3A_36 : i32
      }
      %scan3A_23 = arith.constant 625 : i32
      "tpu.region"() ({
        %run_scoped3A = tpu.sem_alloc : memref<!tpu.dma_semaphore, #tpu.memory_space<semaphore_mem>>
        %dma_start3A = arith.constant 0 : i32
        %dma_start3A_24 = tpu.memref_slice %arg12[%dma_start3A] : memref<10240xf32, #tpu.memory_space<vmem>> -> memref<10000xf32, #tpu.memory_space<vmem>>
        %dma_start3A_25 = arith.constant 0 : i32
        %dma_start3A_26 = tpu.memref_slice %arg12[%dma_start3A_25] : memref<10240xf32, #tpu.memory_space<vmem>> -> memref<10000xf32, #tpu.memory_space<vmem>>
        tpu.enqueue_dma source(%dma_start3A_26 : memref<10000xf32, #tpu.memory_space<vmem>>) target(%arg5 : memref<10000xf32, #tpu.memory_space<hbm>>) target_semaphore(%run_scoped3A : memref<!tpu.dma_semaphore, #tpu.memory_space<semaphore_mem>>)
        %dma_wait3A = arith.constant 0 : i32
        %dma_wait3A_27 = tpu.memref_slice %arg12[%dma_wait3A] : memref<10240xf32, #tpu.memory_space<vmem>> -> memref<10000xf32, #tpu.memory_space<vmem>>
        %dma_wait3A_28 = arith.constant 0 : i32
        %dma_wait3A_29 = tpu.memref_slice %arg12[%dma_wait3A_28] : memref<10240xf32, #tpu.memory_space<vmem>> -> memref<10000xf32, #tpu.memory_space<vmem>>
        tpu.wait_dma2 semaphore(%run_scoped3A : memref<!tpu.dma_semaphore, #tpu.memory_space<semaphore_mem>>) src(%dma_wait3A_29 : memref<10000xf32, #tpu.memory_space<vmem>>) dst(%arg5 : memref<10000xf32, #tpu.memory_space<hbm>>)
        tpu.yield
      }) : () -> ()
      "tpu.region"() ({
        %run_scoped3A = tpu.sem_alloc : memref<!tpu.dma_semaphore, #tpu.memory_space<semaphore_mem>>
        %dma_start3A = arith.constant 0 : i32
        %dma_start3A_24 = tpu.memref_slice %arg13[%dma_start3A] : memref<10240xf32, #tpu.memory_space<vmem>> -> memref<10000xf32, #tpu.memory_space<vmem>>
        %dma_start3A_25 = arith.constant 0 : i32
        %dma_start3A_26 = tpu.memref_slice %arg13[%dma_start3A_25] : memref<10240xf32, #tpu.memory_space<vmem>> -> memref<10000xf32, #tpu.memory_space<vmem>>
        tpu.enqueue_dma source(%dma_start3A_26 : memref<10000xf32, #tpu.memory_space<vmem>>) target(%arg6 : memref<10000xf32, #tpu.memory_space<hbm>>) target_semaphore(%run_scoped3A : memref<!tpu.dma_semaphore, #tpu.memory_space<semaphore_mem>>)
        %dma_wait3A = arith.constant 0 : i32
        %dma_wait3A_27 = tpu.memref_slice %arg13[%dma_wait3A] : memref<10240xf32, #tpu.memory_space<vmem>> -> memref<10000xf32, #tpu.memory_space<vmem>>
        %dma_wait3A_28 = arith.constant 0 : i32
        %dma_wait3A_29 = tpu.memref_slice %arg13[%dma_wait3A_28] : memref<10240xf32, #tpu.memory_space<vmem>> -> memref<10000xf32, #tpu.memory_space<vmem>>
        tpu.wait_dma2 semaphore(%run_scoped3A : memref<!tpu.dma_semaphore, #tpu.memory_space<semaphore_mem>>) src(%dma_wait3A_29 : memref<10000xf32, #tpu.memory_space<vmem>>) dst(%arg6 : memref<10000xf32, #tpu.memory_space<hbm>>)
        tpu.yield
      }) : () -> ()
      "tpu.region"() ({
        %run_scoped3A = tpu.sem_alloc : memref<!tpu.dma_semaphore, #tpu.memory_space<semaphore_mem>>
        tpu.enqueue_dma source(%arg11 : memref<10240xi32, #tpu.memory_space<vmem>>) target(%arg7 : memref<10240xi32, #tpu.memory_space<hbm>>) target_semaphore(%run_scoped3A : memref<!tpu.dma_semaphore, #tpu.memory_space<semaphore_mem>>)
        tpu.wait_dma2 semaphore(%run_scoped3A : memref<!tpu.dma_semaphore, #tpu.memory_space<semaphore_mem>>) src(%arg11 : memref<10240xi32, #tpu.memory_space<vmem>>) dst(%arg7 : memref<10240xi32, #tpu.memory_space<hbm>>)
        tpu.yield
      }) : () -> ()
    } else {
    }
    return
  }
}

#map = affine_map<(d0, d1) -> (0, 0, 0)>
#map1 = affine_map<(d0, d1) -> (0, 0)>
module attributes {stable_mosaic.version = 14 : i64} {
  func.func @seg(%arg0: i32, %arg1: i32, %arg2: memref<32x10000x128xf32, #tpu.memory_space<hbm>>, %arg3: memref<32x79x128xi32, #tpu.memory_space<hbm>>, %arg4: memref<10240x128xf32, #tpu.memory_space<hbm>>, %arg5: memref<10240x16xf32, #tpu.memory_space<hbm>>, %arg6: memref<2x10240x128xf32, #tpu.memory_space<hbm>>, %arg7: memref<2x10240xf32, #tpu.memory_space<hbm>>, %arg8: memref<1x128xi32, #tpu.memory_space<vmem>>, %arg9: memref<1x128xi32, #tpu.memory_space<vmem>>, %arg10: memref<128x128xf32, #tpu.memory_space<vmem>>, %arg11: memref<128x128xf32, #tpu.memory_space<vmem>>, %arg12: memref<128x16xf32, #tpu.memory_space<vmem>>, %arg13: memref<64x16xf32, #tpu.memory_space<vmem>>, %arg14: memref<640xf32, #tpu.memory_space<vmem>>, %arg15: memref<10240x128xf32, #tpu.memory_space<vmem_shared>>, %arg16: memref<10240x16xf32, #tpu.memory_space<vmem_shared>>, %arg17: memref<!tpu.dma_semaphore, #tpu.memory_space<semaphore_mem>>, %arg18: memref<!tpu.dma_semaphore, #tpu.memory_space<semaphore_mem>>, %arg19: memref<!tpu.dma_semaphore, #tpu.memory_space<semaphore_mem>>, %arg20: memref<!tpu.dma_semaphore, #tpu.memory_space<semaphore_mem>>, %arg21: memref<!tpu.dma_semaphore, #tpu.memory_space<semaphore_mem>>, %arg22: memref<!tpu.dma_semaphore, #tpu.memory_space<semaphore_mem>>, %arg23: memref<!tpu.dma_semaphore, #tpu.memory_space<semaphore_mem>>, %arg24: memref<!tpu.dma_semaphore, #tpu.memory_space<semaphore_mem>>) attributes {dimension_semantics = [#tpu.dimension_semantics<core_parallel>, #tpu.dimension_semantics<subcore_parallel>], iteration_bounds = array<i64: 2, 16>, scalar_prefetch = 0 : i64, scratch_operands = 17 : i64, tpu.core_type = #tpu.core_type<sc_vector_subcore>, window_params = [{transform_indices = #map}, {transform_indices = #map}, {transform_indices = #map1}, {transform_indices = #map1}, {transform_indices = #map}, {transform_indices = #map1}]} {
    %mul3A = arith.constant 16 : i32
    %mul3A_0 = arith.muli %arg0, %mul3A : i32
    %add3A = arith.addi %mul3A_0, %arg1 : i32
    %mul3A_1 = arith.constant 640 : i32
    %mul3A_2 = arith.muli %arg1, %mul3A_1 : i32
    %dma_start3A = arith.constant 0 : i32
    %dma_start3A_3 = arith.constant 0 : i32
    %dma_start3A_4 = tpu.memref_slice %arg2[%add3A, %dma_start3A, %dma_start3A_3] : memref<32x10000x128xf32, #tpu.memory_space<hbm>> -> memref<1x128x128xf32, #tpu.memory_space<hbm>>
    %dma_start3A_5 = tpu.memref_squeeze %dma_start3A_4 : memref<1x128x128xf32, #tpu.memory_space<hbm>> -> memref<128x128xf32, #tpu.memory_space<hbm>>
    %dma_start3A_6 = arith.constant 0 : i32
    %dma_start3A_7 = arith.constant 0 : i32
    %dma_start3A_8 = tpu.memref_slice %arg2[%add3A, %dma_start3A_6, %dma_start3A_7] : memref<32x10000x128xf32, #tpu.memory_space<hbm>> -> memref<1x128x128xf32, #tpu.memory_space<hbm>>
    %dma_start3A_9 = tpu.memref_squeeze %dma_start3A_8 : memref<1x128x128xf32, #tpu.memory_space<hbm>> -> memref<128x128xf32, #tpu.memory_space<hbm>>
    tpu.enqueue_dma source(%dma_start3A_9 : memref<128x128xf32, #tpu.memory_space<hbm>>) target(%arg10 : memref<128x128xf32, #tpu.memory_space<vmem>>) target_semaphore(%arg17 : memref<!tpu.dma_semaphore, #tpu.memory_space<semaphore_mem>>)
    %dma_start3A_10 = arith.constant 0 : i32
    %dma_start3A_11 = arith.constant 0 : i32
    %dma_start3A_12 = tpu.memref_slice %arg3[%add3A, %dma_start3A_10, %dma_start3A_11] : memref<32x79x128xi32, #tpu.memory_space<hbm>> -> memref<1x1x128xi32, #tpu.memory_space<hbm>>
    %dma_start3A_13 = tpu.memref_squeeze %dma_start3A_12 : memref<1x1x128xi32, #tpu.memory_space<hbm>> -> memref<1x128xi32, #tpu.memory_space<hbm>>
    %dma_start3A_14 = arith.constant 0 : i32
    %dma_start3A_15 = arith.constant 0 : i32
    %dma_start3A_16 = tpu.memref_slice %arg3[%add3A, %dma_start3A_14, %dma_start3A_15] : memref<32x79x128xi32, #tpu.memory_space<hbm>> -> memref<1x1x128xi32, #tpu.memory_space<hbm>>
    %dma_start3A_17 = tpu.memref_squeeze %dma_start3A_16 : memref<1x1x128xi32, #tpu.memory_space<hbm>> -> memref<1x128xi32, #tpu.memory_space<hbm>>
    tpu.enqueue_dma source(%dma_start3A_17 : memref<1x128xi32, #tpu.memory_space<hbm>>) target(%arg8 : memref<1x128xi32, #tpu.memory_space<vmem>>) target_semaphore(%arg19 : memref<!tpu.dma_semaphore, #tpu.memory_space<semaphore_mem>>)
    %dma_start3A_18 = arith.constant 128 : i32
    %dma_start3A_19 = arith.constant 0 : i32
    %dma_start3A_20 = tpu.memref_slice %arg2[%add3A, %dma_start3A_18, %dma_start3A_19] : memref<32x10000x128xf32, #tpu.memory_space<hbm>> -> memref<1x128x128xf32, #tpu.memory_space<hbm>>
    %dma_start3A_21 = tpu.memref_squeeze %dma_start3A_20 : memref<1x128x128xf32, #tpu.memory_space<hbm>> -> memref<128x128xf32, #tpu.memory_space<hbm>>
    %dma_start3A_22 = arith.constant 128 : i32
    %dma_start3A_23 = arith.constant 0 : i32
    %dma_start3A_24 = tpu.memref_slice %arg2[%add3A, %dma_start3A_22, %dma_start3A_23] : memref<32x10000x128xf32, #tpu.memory_space<hbm>> -> memref<1x128x128xf32, #tpu.memory_space<hbm>>
    %dma_start3A_25 = tpu.memref_squeeze %dma_start3A_24 : memref<1x128x128xf32, #tpu.memory_space<hbm>> -> memref<128x128xf32, #tpu.memory_space<hbm>>
    tpu.enqueue_dma source(%dma_start3A_25 : memref<128x128xf32, #tpu.memory_space<hbm>>) target(%arg11 : memref<128x128xf32, #tpu.memory_space<vmem>>) target_semaphore(%arg18 : memref<!tpu.dma_semaphore, #tpu.memory_space<semaphore_mem>>)
    %dma_start3A_26 = arith.constant 1 : i32
    %dma_start3A_27 = arith.constant 0 : i32
    %dma_start3A_28 = tpu.memref_slice %arg3[%add3A, %dma_start3A_26, %dma_start3A_27] : memref<32x79x128xi32, #tpu.memory_space<hbm>> -> memref<1x1x128xi32, #tpu.memory_space<hbm>>
    %dma_start3A_29 = tpu.memref_squeeze %dma_start3A_28 : memref<1x1x128xi32, #tpu.memory_space<hbm>> -> memref<1x128xi32, #tpu.memory_space<hbm>>
    %dma_start3A_30 = arith.constant 1 : i32
    %dma_start3A_31 = arith.constant 0 : i32
    %dma_start3A_32 = tpu.memref_slice %arg3[%add3A, %dma_start3A_30, %dma_start3A_31] : memref<32x79x128xi32, #tpu.memory_space<hbm>> -> memref<1x1x128xi32, #tpu.memory_space<hbm>>
    %dma_start3A_33 = tpu.memref_squeeze %dma_start3A_32 : memref<1x1x128xi32, #tpu.memory_space<hbm>> -> memref<1x128xi32, #tpu.memory_space<hbm>>
    tpu.enqueue_dma source(%dma_start3A_33 : memref<1x128xi32, #tpu.memory_space<hbm>>) target(%arg9 : memref<1x128xi32, #tpu.memory_space<vmem>>) target_semaphore(%arg20 : memref<!tpu.dma_semaphore, #tpu.memory_space<semaphore_mem>>)
    %scan3A = arith.constant 0 : i32
    %scan3A_34 = arith.constant 0 : i32
    %scan3A_35 = arith.constant 128 : i32
    %scan3A_36 = arith.addi %scan3A_34, %scan3A_35 : i32
    %scan3A_37 = arith.constant 1 : i32
    %scan3A_38 = scf.for %scan3A_147 = %scan3A_34 to %scan3A_36 step %scan3A_37 iter_args(%scan3A_148 = %scan3A) -> (i32)  : i32 {
      %broadcast_in_dim3A = arith.constant 1.000000e+00 : f32
      %broadcast_in_dim3A_149 = vector.broadcast %broadcast_in_dim3A : f32 to vector<16xf32>
      %swap3A = arith.index_cast %scan3A_147 : i32 to index
      %swap3A_150 = arith.constant 0 : index
      %swap3A_151 = tpu.vector_load %arg12[%swap3A, %swap3A_150] {strides = array<i32>} : memref<128x16xf32, #tpu.memory_space<vmem>>, vector<16xf32>,
      tpu.vector_store %arg12[%swap3A, %swap3A_150], %broadcast_in_dim3A_149 {strides = array<i32>} : memref<128x16xf32, #tpu.memory_space<vmem>>, vector<16xf32>,
      %scan3A_152 = arith.constant 0 : i32
      scf.yield %scan3A_152 : i32
    }
    %scan3A_39 = arith.constant 128 : i32
    "tpu.region"() ({
      %run_scoped3A = tpu.sem_alloc : memref<!tpu.dma_semaphore, #tpu.memory_space<semaphore_mem>>
      %dma_start3A_147 = arith.constant 0 : i32
      %dma_start3A_148 = tpu.memref_slice %arg15[%mul3A_2, %dma_start3A_147] : memref<10240x128xf32, #tpu.memory_space<vmem_shared>> -> memref<640x128xf32, #tpu.memory_space<vmem_shared>>
      %dma_start3A_149 = arith.constant 0 : i32
      %dma_start3A_150 = tpu.memref_slice %arg4[%mul3A_2, %dma_start3A_149] : memref<10240x128xf32, #tpu.memory_space<hbm>> -> memref<640x128xf32, #tpu.memory_space<hbm>>
      tpu.enqueue_dma source(%dma_start3A_150 : memref<640x128xf32, #tpu.memory_space<hbm>>) target(%dma_start3A_148 : memref<640x128xf32, #tpu.memory_space<vmem_shared>>) target_semaphore(%run_scoped3A : memref<!tpu.dma_semaphore, #tpu.memory_space<semaphore_mem>>)
      %dma_wait3A_151 = arith.constant 0 : i32
      %dma_wait3A_152 = tpu.memref_slice %arg15[%mul3A_2, %dma_wait3A_151] : memref<10240x128xf32, #tpu.memory_space<vmem_shared>> -> memref<640x128xf32, #tpu.memory_space<vmem_shared>>
      %dma_wait3A_153 = arith.constant 0 : i32
      %dma_wait3A_154 = tpu.memref_slice %arg4[%mul3A_2, %dma_wait3A_153] : memref<10240x128xf32, #tpu.memory_space<hbm>> -> memref<640x128xf32, #tpu.memory_space<hbm>>
      tpu.wait_dma2 semaphore(%run_scoped3A : memref<!tpu.dma_semaphore, #tpu.memory_space<semaphore_mem>>) src(%dma_wait3A_154 : memref<640x128xf32, #tpu.memory_space<hbm>>) dst(%dma_wait3A_152 : memref<640x128xf32, #tpu.memory_space<vmem_shared>>)
      tpu.yield
    }) : () -> ()
    "tpu.region"() ({
      %run_scoped3A = tpu.sem_alloc : memref<!tpu.dma_semaphore, #tpu.memory_space<semaphore_mem>>
      %dma_start3A_147 = arith.constant 0 : i32
      %dma_start3A_148 = tpu.memref_slice %arg16[%mul3A_2, %dma_start3A_147] : memref<10240x16xf32, #tpu.memory_space<vmem_shared>> -> memref<640x16xf32, #tpu.memory_space<vmem_shared>>
      %dma_start3A_149 = arith.constant 0 : i32
      %dma_start3A_150 = tpu.memref_slice %arg5[%mul3A_2, %dma_start3A_149] : memref<10240x16xf32, #tpu.memory_space<hbm>> -> memref<640x16xf32, #tpu.memory_space<hbm>>
      tpu.enqueue_dma source(%dma_start3A_150 : memref<640x16xf32, #tpu.memory_space<hbm>>) target(%dma_start3A_148 : memref<640x16xf32, #tpu.memory_space<vmem_shared>>) target_semaphore(%run_scoped3A : memref<!tpu.dma_semaphore, #tpu.memory_space<semaphore_mem>>)
      %dma_wait3A_151 = arith.constant 0 : i32
      %dma_wait3A_152 = tpu.memref_slice %arg16[%mul3A_2, %dma_wait3A_151] : memref<10240x16xf32, #tpu.memory_space<vmem_shared>> -> memref<640x16xf32, #tpu.memory_space<vmem_shared>>
      %dma_wait3A_153 = arith.constant 0 : i32
      %dma_wait3A_154 = tpu.memref_slice %arg5[%mul3A_2, %dma_wait3A_153] : memref<10240x16xf32, #tpu.memory_space<hbm>> -> memref<640x16xf32, #tpu.memory_space<hbm>>
      tpu.wait_dma2 semaphore(%run_scoped3A : memref<!tpu.dma_semaphore, #tpu.memory_space<semaphore_mem>>) src(%dma_wait3A_154 : memref<640x16xf32, #tpu.memory_space<hbm>>) dst(%dma_wait3A_152 : memref<640x16xf32, #tpu.memory_space<vmem_shared>>)
      tpu.yield
    }) : () -> ()
    %barrier3A = arith.constant 0 : index
    tpu.barrier barrier_id(%barrier3A)
    %scan3A_40 = arith.constant 0 : i32
    %scan3A_41 = arith.constant 0 : i32
    %scan3A_42 = arith.constant 39 : i32
    %scan3A_43 = arith.addi %scan3A_41, %scan3A_42 : i32
    %scan3A_44 = arith.constant 1 : i32
    %scan3A_45 = scf.for %scan3A_147 = %scan3A_41 to %scan3A_43 step %scan3A_44 iter_args(%scan3A_148 = %scan3A_40) -> (i32)  : i32 {
      %mul3A_149 = arith.constant 2 : i32
      %mul3A_150 = arith.muli %mul3A_149, %scan3A_147 : i32
      %dma_wait3A_151 = arith.constant 0 : i32
      %dma_wait3A_152 = arith.constant 0 : i32
      %dma_wait3A_153 = tpu.memref_slice %arg2[%add3A, %dma_wait3A_151, %dma_wait3A_152] : memref<32x10000x128xf32, #tpu.memory_space<hbm>> -> memref<1x128x128xf32, #tpu.memory_space<hbm>>
      %dma_wait3A_154 = tpu.memref_squeeze %dma_wait3A_153 : memref<1x128x128xf32, #tpu.memory_space<hbm>> -> memref<128x128xf32, #tpu.memory_space<hbm>>
      %dma_wait3A_155 = arith.constant 0 : i32
      %dma_wait3A_156 = arith.constant 0 : i32
      %dma_wait3A_157 = tpu.memref_slice %arg2[%add3A, %dma_wait3A_155, %dma_wait3A_156] : memref<32x10000x128xf32, #tpu.memory_space<hbm>> -> memref<1x128x128xf32, #tpu.memory_space<hbm>>
      %dma_wait3A_158 = tpu.memref_squeeze %dma_wait3A_157 : memref<1x128x128xf32, #tpu.memory_space<hbm>> -> memref<128x128xf32, #tpu.memory_space<hbm>>
      tpu.wait_dma2 semaphore(%arg17 : memref<!tpu.dma_semaphore, #tpu.memory_space<semaphore_mem>>) src(%dma_wait3A_158 : memref<128x128xf32, #tpu.memory_space<hbm>>) dst(%arg10 : memref<128x128xf32, #tpu.memory_space<vmem>>)
      %dma_wait3A_159 = arith.constant 0 : i32
      %dma_wait3A_160 = arith.constant 0 : i32
      %dma_wait3A_161 = tpu.memref_slice %arg3[%add3A, %dma_wait3A_159, %dma_wait3A_160] : memref<32x79x128xi32, #tpu.memory_space<hbm>> -> memref<1x1x128xi32, #tpu.memory_space<hbm>>
      %dma_wait3A_162 = tpu.memref_squeeze %dma_wait3A_161 : memref<1x1x128xi32, #tpu.memory_space<hbm>> -> memref<1x128xi32, #tpu.memory_space<hbm>>
      %dma_wait3A_163 = arith.constant 0 : i32
      %dma_wait3A_164 = arith.constant 0 : i32
      %dma_wait3A_165 = tpu.memref_slice %arg3[%add3A, %dma_wait3A_163, %dma_wait3A_164] : memref<32x79x128xi32, #tpu.memory_space<hbm>> -> memref<1x1x128xi32, #tpu.memory_space<hbm>>
      %dma_wait3A_166 = tpu.memref_squeeze %dma_wait3A_165 : memref<1x1x128xi32, #tpu.memory_space<hbm>> -> memref<1x128xi32, #tpu.memory_space<hbm>>
      tpu.wait_dma2 semaphore(%arg19 : memref<!tpu.dma_semaphore, #tpu.memory_space<semaphore_mem>>) src(%dma_wait3A_166 : memref<1x128xi32, #tpu.memory_space<hbm>>) dst(%arg8 : memref<1x128xi32, #tpu.memory_space<vmem>>)
      %dma_start3A_167 = arith.constant 0 : i32
      %dma_start3A_168 = arith.constant 0 : i32
      %dma_start3A_169 = tpu.memref_slice %arg8[%dma_start3A_167, %dma_start3A_168] : memref<1x128xi32, #tpu.memory_space<vmem>> -> memref<1x128xi32, #tpu.memory_space<vmem>>
      %dma_start3A_170 = tpu.memref_squeeze %dma_start3A_169 : memref<1x128xi32, #tpu.memory_space<vmem>> -> memref<128xi32, #tpu.memory_space<vmem>>
      %dma_start3A_171 = arith.constant 0 : i32
      %dma_start3A_172 = arith.constant 0 : i32
      %dma_start3A_173 = tpu.memref_slice %arg15[%dma_start3A_171, %dma_start3A_172] : memref<10240x128xf32, #tpu.memory_space<vmem_shared>> -> memref<10240x128xf32, #tpu.memory_space<vmem_shared>>
      tpu.enqueue_indirect_dma source(%arg10 : memref<128x128xf32, #tpu.memory_space<vmem>>) target(%dma_start3A_173 : memref<10240x128xf32, #tpu.memory_space<vmem_shared>>) offsets(%dma_start3A_170 : memref<128xi32, #tpu.memory_space<vmem>>) semaphore(%arg21 : memref<!tpu.dma_semaphore, #tpu.memory_space<semaphore_mem>>) {add = true}
      %dma_start3A_174 = arith.constant 0 : i32
      %dma_start3A_175 = arith.constant 0 : i32
      %dma_start3A_176 = tpu.memref_slice %arg8[%dma_start3A_174, %dma_start3A_175] : memref<1x128xi32, #tpu.memory_space<vmem>> -> memref<1x128xi32, #tpu.memory_space<vmem>>
      %dma_start3A_177 = tpu.memref_squeeze %dma_start3A_176 : memref<1x128xi32, #tpu.memory_space<vmem>> -> memref<128xi32, #tpu.memory_space<vmem>>
      %dma_start3A_178 = arith.constant 0 : i32
      %dma_start3A_179 = arith.constant 0 : i32
      %dma_start3A_180 = tpu.memref_slice %arg16[%dma_start3A_178, %dma_start3A_179] : memref<10240x16xf32, #tpu.memory_space<vmem_shared>> -> memref<10240x16xf32, #tpu.memory_space<vmem_shared>>
      tpu.enqueue_indirect_dma source(%arg12 : memref<128x16xf32, #tpu.memory_space<vmem>>) target(%dma_start3A_180 : memref<10240x16xf32, #tpu.memory_space<vmem_shared>>) offsets(%dma_start3A_177 : memref<128xi32, #tpu.memory_space<vmem>>) semaphore(%arg23 : memref<!tpu.dma_semaphore, #tpu.memory_space<semaphore_mem>>) {add = true}
      %gt3A = arith.constant 0 : i32
      %gt3A_181 = arith.cmpi sgt, %scan3A_147, %gt3A : i32
      %convert_element_type3A = arith.extui %gt3A_181 : i1 to i32
      %cond3A = arith.constant 0 : i32
      %cond3A_182 = arith.cmpi ne, %convert_element_type3A, %cond3A : i32
      scf.if %cond3A_182 {
        %dma_wait3A_234 = arith.constant 0 : i32
        %dma_wait3A_235 = arith.constant 0 : i32
        %dma_wait3A_236 = tpu.memref_slice %arg9[%dma_wait3A_234, %dma_wait3A_235] : memref<1x128xi32, #tpu.memory_space<vmem>> -> memref<1x128xi32, #tpu.memory_space<vmem>>
        %dma_wait3A_237 = tpu.memref_squeeze %dma_wait3A_236 : memref<1x128xi32, #tpu.memory_space<vmem>> -> memref<128xi32, #tpu.memory_space<vmem>>
        %dma_wait3A_238 = arith.constant 0 : i32
        %dma_wait3A_239 = arith.constant 0 : i32
        %dma_wait3A_240 = tpu.memref_slice %arg15[%dma_wait3A_238, %dma_wait3A_239] : memref<10240x128xf32, #tpu.memory_space<vmem_shared>> -> memref<10240x128xf32, #tpu.memory_space<vmem_shared>>
        tpu.wait_indirect_dma semaphore(%arg22 : memref<!tpu.dma_semaphore, #tpu.memory_space<semaphore_mem>>) src(%arg11 : memref<128x128xf32, #tpu.memory_space<vmem>>) dst(%dma_wait3A_240 : memref<10240x128xf32, #tpu.memory_space<vmem_shared>>)
        %dma_wait3A_241 = arith.constant 0 : i32
        %dma_wait3A_242 = arith.constant 0 : i32
        %dma_wait3A_243 = tpu.memref_slice %arg9[%dma_wait3A_241, %dma_wait3A_242] : memref<1x128xi32, #tpu.memory_space<vmem>> -> memref<1x128xi32, #tpu.memory_space<vmem>>
        %dma_wait3A_244 = tpu.memref_squeeze %dma_wait3A_243 : memref<1x128xi32, #tpu.memory_space<vmem>> -> memref<128xi32, #tpu.memory_space<vmem>>
        %dma_wait3A_245 = arith.constant 0 : i32
        %dma_wait3A_246 = arith.constant 0 : i32
        %dma_wait3A_247 = tpu.memref_slice %arg16[%dma_wait3A_245, %dma_wait3A_246] : memref<10240x16xf32, #tpu.memory_space<vmem_shared>> -> memref<10240x16xf32, #tpu.memory_space<vmem_shared>>
        tpu.wait_indirect_dma semaphore(%arg24 : memref<!tpu.dma_semaphore, #tpu.memory_space<semaphore_mem>>) src(%arg12 : memref<128x16xf32, #tpu.memory_space<vmem>>) dst(%dma_wait3A_247 : memref<10240x16xf32, #tpu.memory_space<vmem_shared>>)
        %add3A_248 = arith.constant 1 : i32
        %add3A_249 = arith.addi %mul3A_150, %add3A_248 : i32
        %mul3A_250 = arith.constant 128 : i32
        %mul3A_251 = arith.muli %add3A_249, %mul3A_250 : i32
        %dma_start3A_252 = arith.constant 0 : i32
        %dma_start3A_253 = tpu.memref_slice %arg2[%add3A, %mul3A_251, %dma_start3A_252] : memref<32x10000x128xf32, #tpu.memory_space<hbm>> -> memref<1x128x128xf32, #tpu.memory_space<hbm>>
        %dma_start3A_254 = tpu.memref_squeeze %dma_start3A_253 : memref<1x128x128xf32, #tpu.memory_space<hbm>> -> memref<128x128xf32, #tpu.memory_space<hbm>>
        %dma_start3A_255 = arith.constant 0 : i32
        %dma_start3A_256 = tpu.memref_slice %arg2[%add3A, %mul3A_251, %dma_start3A_255] : memref<32x10000x128xf32, #tpu.memory_space<hbm>> -> memref<1x128x128xf32, #tpu.memory_space<hbm>>
        %dma_start3A_257 = tpu.memref_squeeze %dma_start3A_256 : memref<1x128x128xf32, #tpu.memory_space<hbm>> -> memref<128x128xf32, #tpu.memory_space<hbm>>
        tpu.enqueue_dma source(%dma_start3A_257 : memref<128x128xf32, #tpu.memory_space<hbm>>) target(%arg11 : memref<128x128xf32, #tpu.memory_space<vmem>>) target_semaphore(%arg18 : memref<!tpu.dma_semaphore, #tpu.memory_space<semaphore_mem>>)
        %dma_start3A_258 = arith.constant 0 : i32
        %dma_start3A_259 = tpu.memref_slice %arg3[%add3A, %add3A_249, %dma_start3A_258] : memref<32x79x128xi32, #tpu.memory_space<hbm>> -> memref<1x1x128xi32, #tpu.memory_space<hbm>>
        %dma_start3A_260 = tpu.memref_squeeze %dma_start3A_259 : memref<1x1x128xi32, #tpu.memory_space<hbm>> -> memref<1x128xi32, #tpu.memory_space<hbm>>
        %dma_start3A_261 = arith.constant 0 : i32
        %dma_start3A_262 = tpu.memref_slice %arg3[%add3A, %add3A_249, %dma_start3A_261] : memref<32x79x128xi32, #tpu.memory_space<hbm>> -> memref<1x1x128xi32, #tpu.memory_space<hbm>>
        %dma_start3A_263 = tpu.memref_squeeze %dma_start3A_262 : memref<1x1x128xi32, #tpu.memory_space<hbm>> -> memref<1x128xi32, #tpu.memory_space<hbm>>
        tpu.enqueue_dma source(%dma_start3A_263 : memref<1x128xi32, #tpu.memory_space<hbm>>) target(%arg9 : memref<1x128xi32, #tpu.memory_space<vmem>>) target_semaphore(%arg20 : memref<!tpu.dma_semaphore, #tpu.memory_space<semaphore_mem>>)
      } else {
      }
      %dma_wait3A_183 = arith.constant 0 : i32
      %dma_wait3A_184 = arith.constant 0 : i32
      %dma_wait3A_185 = tpu.memref_slice %arg2[%add3A, %dma_wait3A_183, %dma_wait3A_184] : memref<32x10000x128xf32, #tpu.memory_space<hbm>> -> memref<1x128x128xf32, #tpu.memory_space<hbm>>
      %dma_wait3A_186 = tpu.memref_squeeze %dma_wait3A_185 : memref<1x128x128xf32, #tpu.memory_space<hbm>> -> memref<128x128xf32, #tpu.memory_space<hbm>>
      %dma_wait3A_187 = arith.constant 0 : i32
      %dma_wait3A_188 = arith.constant 0 : i32
      %dma_wait3A_189 = tpu.memref_slice %arg2[%add3A, %dma_wait3A_187, %dma_wait3A_188] : memref<32x10000x128xf32, #tpu.memory_space<hbm>> -> memref<1x128x128xf32, #tpu.memory_space<hbm>>
      %dma_wait3A_190 = tpu.memref_squeeze %dma_wait3A_189 : memref<1x128x128xf32, #tpu.memory_space<hbm>> -> memref<128x128xf32, #tpu.memory_space<hbm>>
      tpu.wait_dma2 semaphore(%arg18 : memref<!tpu.dma_semaphore, #tpu.memory_space<semaphore_mem>>) src(%dma_wait3A_190 : memref<128x128xf32, #tpu.memory_space<hbm>>) dst(%arg11 : memref<128x128xf32, #tpu.memory_space<vmem>>)
      %dma_wait3A_191 = arith.constant 0 : i32
      %dma_wait3A_192 = arith.constant 0 : i32
      %dma_wait3A_193 = tpu.memref_slice %arg3[%add3A, %dma_wait3A_191, %dma_wait3A_192] : memref<32x79x128xi32, #tpu.memory_space<hbm>> -> memref<1x1x128xi32, #tpu.memory_space<hbm>>
      %dma_wait3A_194 = tpu.memref_squeeze %dma_wait3A_193 : memref<1x1x128xi32, #tpu.memory_space<hbm>> -> memref<1x128xi32, #tpu.memory_space<hbm>>
      %dma_wait3A_195 = arith.constant 0 : i32
      %dma_wait3A_196 = arith.constant 0 : i32
      %dma_wait3A_197 = tpu.memref_slice %arg3[%add3A, %dma_wait3A_195, %dma_wait3A_196] : memref<32x79x128xi32, #tpu.memory_space<hbm>> -> memref<1x1x128xi32, #tpu.memory_space<hbm>>
      %dma_wait3A_198 = tpu.memref_squeeze %dma_wait3A_197 : memref<1x1x128xi32, #tpu.memory_space<hbm>> -> memref<1x128xi32, #tpu.memory_space<hbm>>
      tpu.wait_dma2 semaphore(%arg20 : memref<!tpu.dma_semaphore, #tpu.memory_space<semaphore_mem>>) src(%dma_wait3A_198 : memref<1x128xi32, #tpu.memory_space<hbm>>) dst(%arg9 : memref<1x128xi32, #tpu.memory_space<vmem>>)
      %dma_start3A_199 = arith.constant 0 : i32
      %dma_start3A_200 = arith.constant 0 : i32
      %dma_start3A_201 = tpu.memref_slice %arg9[%dma_start3A_199, %dma_start3A_200] : memref<1x128xi32, #tpu.memory_space<vmem>> -> memref<1x128xi32, #tpu.memory_space<vmem>>
      %dma_start3A_202 = tpu.memref_squeeze %dma_start3A_201 : memref<1x128xi32, #tpu.memory_space<vmem>> -> memref<128xi32, #tpu.memory_space<vmem>>
      %dma_start3A_203 = arith.constant 0 : i32
      %dma_start3A_204 = arith.constant 0 : i32
      %dma_start3A_205 = tpu.memref_slice %arg15[%dma_start3A_203, %dma_start3A_204] : memref<10240x128xf32, #tpu.memory_space<vmem_shared>> -> memref<10240x128xf32, #tpu.memory_space<vmem_shared>>
      tpu.enqueue_indirect_dma source(%arg11 : memref<128x128xf32, #tpu.memory_space<vmem>>) target(%dma_start3A_205 : memref<10240x128xf32, #tpu.memory_space<vmem_shared>>) offsets(%dma_start3A_202 : memref<128xi32, #tpu.memory_space<vmem>>) semaphore(%arg22 : memref<!tpu.dma_semaphore, #tpu.memory_space<semaphore_mem>>) {add = true}
      %dma_start3A_206 = arith.constant 0 : i32
      %dma_start3A_207 = arith.constant 0 : i32
      %dma_start3A_208 = tpu.memref_slice %arg9[%dma_start3A_206, %dma_start3A_207] : memref<1x128xi32, #tpu.memory_space<vmem>> -> memref<1x128xi32, #tpu.memory_space<vmem>>
      %dma_start3A_209 = tpu.memref_squeeze %dma_start3A_208 : memref<1x128xi32, #tpu.memory_space<vmem>> -> memref<128xi32, #tpu.memory_space<vmem>>
      %dma_start3A_210 = arith.constant 0 : i32
      %dma_start3A_211 = arith.constant 0 : i32
      %dma_start3A_212 = tpu.memref_slice %arg16[%dma_start3A_210, %dma_start3A_211] : memref<10240x16xf32, #tpu.memory_space<vmem_shared>> -> memref<10240x16xf32, #tpu.memory_space<vmem_shared>>
      tpu.enqueue_indirect_dma source(%arg12 : memref<128x16xf32, #tpu.memory_space<vmem>>) target(%dma_start3A_212 : memref<10240x16xf32, #tpu.memory_space<vmem_shared>>) offsets(%dma_start3A_209 : memref<128xi32, #tpu.memory_space<vmem>>) semaphore(%arg24 : memref<!tpu.dma_semaphore, #tpu.memory_space<semaphore_mem>>) {add = true}
      %dma_wait3A_213 = arith.constant 0 : i32
      %dma_wait3A_214 = arith.constant 0 : i32
      %dma_wait3A_215 = tpu.memref_slice %arg8[%dma_wait3A_213, %dma_wait3A_214] : memref<1x128xi32, #tpu.memory_space<vmem>> -> memref<1x128xi32, #tpu.memory_space<vmem>>
      %dma_wait3A_216 = tpu.memref_squeeze %dma_wait3A_215 : memref<1x128xi32, #tpu.memory_space<vmem>> -> memref<128xi32, #tpu.memory_space<vmem>>
      %dma_wait3A_217 = arith.constant 0 : i32
      %dma_wait3A_218 = arith.constant 0 : i32
      %dma_wait3A_219 = tpu.memref_slice %arg15[%dma_wait3A_217, %dma_wait3A_218] : memref<10240x128xf32, #tpu.memory_space<vmem_shared>> -> memref<10240x128xf32, #tpu.memory_space<vmem_shared>>
      tpu.wait_indirect_dma semaphore(%arg21 : memref<!tpu.dma_semaphore, #tpu.memory_space<semaphore_mem>>) src(%arg10 : memref<128x128xf32, #tpu.memory_space<vmem>>) dst(%dma_wait3A_219 : memref<10240x128xf32, #tpu.memory_space<vmem_shared>>)
      %dma_wait3A_220 = arith.constant 0 : i32
      %dma_wait3A_221 = arith.constant 0 : i32
      %dma_wait3A_222 = tpu.memref_slice %arg8[%dma_wait3A_220, %dma_wait3A_221] : memref<1x128xi32, #tpu.memory_space<vmem>> -> memref<1x128xi32, #tpu.memory_space<vmem>>
      %dma_wait3A_223 = tpu.memref_squeeze %dma_wait3A_222 : memref<1x128xi32, #tpu.memory_space<vmem>> -> memref<128xi32, #tpu.memory_space<vmem>>
      %dma_wait3A_224 = arith.constant 0 : i32
      %dma_wait3A_225 = arith.constant 0 : i32
      %dma_wait3A_226 = tpu.memref_slice %arg16[%dma_wait3A_224, %dma_wait3A_225] : memref<10240x16xf32, #tpu.memory_space<vmem_shared>> -> memref<10240x16xf32, #tpu.memory_space<vmem_shared>>
      tpu.wait_indirect_dma semaphore(%arg23 : memref<!tpu.dma_semaphore, #tpu.memory_space<semaphore_mem>>) src(%arg12 : memref<128x16xf32, #tpu.memory_space<vmem>>) dst(%dma_wait3A_226 : memref<10240x16xf32, #tpu.memory_space<vmem_shared>>)
      %add3A_227 = arith.constant 2 : i32
      %add3A_228 = arith.addi %mul3A_150, %add3A_227 : i32
      %lt3A = arith.constant 78 : i32
      %lt3A_229 = arith.cmpi slt, %add3A_228, %lt3A : i32
      %convert_element_type3A_230 = arith.extui %lt3A_229 : i1 to i32
      %cond3A_231 = arith.constant 0 : i32
      %cond3A_232 = arith.cmpi ne, %convert_element_type3A_230, %cond3A_231 : i32
      scf.if %cond3A_232 {
        %add3A_234 = arith.constant 2 : i32
        %add3A_235 = arith.addi %mul3A_150, %add3A_234 : i32
        %mul3A_236 = arith.constant 128 : i32
        %mul3A_237 = arith.muli %add3A_235, %mul3A_236 : i32
        %dma_start3A_238 = arith.constant 0 : i32
        %dma_start3A_239 = tpu.memref_slice %arg2[%add3A, %mul3A_237, %dma_start3A_238] : memref<32x10000x128xf32, #tpu.memory_space<hbm>> -> memref<1x128x128xf32, #tpu.memory_space<hbm>>
        %dma_start3A_240 = tpu.memref_squeeze %dma_start3A_239 : memref<1x128x128xf32, #tpu.memory_space<hbm>> -> memref<128x128xf32, #tpu.memory_space<hbm>>
        %dma_start3A_241 = arith.constant 0 : i32
        %dma_start3A_242 = tpu.memref_slice %arg2[%add3A, %mul3A_237, %dma_start3A_241] : memref<32x10000x128xf32, #tpu.memory_space<hbm>> -> memref<1x128x128xf32, #tpu.memory_space<hbm>>
        %dma_start3A_243 = tpu.memref_squeeze %dma_start3A_242 : memref<1x128x128xf32, #tpu.memory_space<hbm>> -> memref<128x128xf32, #tpu.memory_space<hbm>>
        tpu.enqueue_dma source(%dma_start3A_243 : memref<128x128xf32, #tpu.memory_space<hbm>>) target(%arg10 : memref<128x128xf32, #tpu.memory_space<vmem>>) target_semaphore(%arg17 : memref<!tpu.dma_semaphore, #tpu.memory_space<semaphore_mem>>)
        %dma_start3A_244 = arith.constant 0 : i32
        %dma_start3A_245 = tpu.memref_slice %arg3[%add3A, %add3A_235, %dma_start3A_244] : memref<32x79x128xi32, #tpu.memory_space<hbm>> -> memref<1x1x128xi32, #tpu.memory_space<hbm>>
        %dma_start3A_246 = tpu.memref_squeeze %dma_start3A_245 : memref<1x1x128xi32, #tpu.memory_space<hbm>> -> memref<1x128xi32, #tpu.memory_space<hbm>>
        %dma_start3A_247 = arith.constant 0 : i32
        %dma_start3A_248 = tpu.memref_slice %arg3[%add3A, %add3A_235, %dma_start3A_247] : memref<32x79x128xi32, #tpu.memory_space<hbm>> -> memref<1x1x128xi32, #tpu.memory_space<hbm>>
        %dma_start3A_249 = tpu.memref_squeeze %dma_start3A_248 : memref<1x1x128xi32, #tpu.memory_space<hbm>> -> memref<1x128xi32, #tpu.memory_space<hbm>>
        tpu.enqueue_dma source(%dma_start3A_249 : memref<1x128xi32, #tpu.memory_space<hbm>>) target(%arg8 : memref<1x128xi32, #tpu.memory_space<vmem>>) target_semaphore(%arg19 : memref<!tpu.dma_semaphore, #tpu.memory_space<semaphore_mem>>)
      } else {
      }
      %scan3A_233 = arith.constant 0 : i32
      scf.yield %scan3A_233 : i32
    }
    %scan3A_46 = arith.constant 39 : i32
    %dma_wait3A = arith.constant 0 : i32
    %dma_wait3A_47 = arith.constant 0 : i32
    %dma_wait3A_48 = tpu.memref_slice %arg9[%dma_wait3A, %dma_wait3A_47] : memref<1x128xi32, #tpu.memory_space<vmem>> -> memref<1x128xi32, #tpu.memory_space<vmem>>
    %dma_wait3A_49 = tpu.memref_squeeze %dma_wait3A_48 : memref<1x128xi32, #tpu.memory_space<vmem>> -> memref<128xi32, #tpu.memory_space<vmem>>
    %dma_wait3A_50 = arith.constant 0 : i32
    %dma_wait3A_51 = arith.constant 0 : i32
    %dma_wait3A_52 = tpu.memref_slice %arg15[%dma_wait3A_50, %dma_wait3A_51] : memref<10240x128xf32, #tpu.memory_space<vmem_shared>> -> memref<10240x128xf32, #tpu.memory_space<vmem_shared>>
    tpu.wait_indirect_dma semaphore(%arg22 : memref<!tpu.dma_semaphore, #tpu.memory_space<semaphore_mem>>) src(%arg11 : memref<128x128xf32, #tpu.memory_space<vmem>>) dst(%dma_wait3A_52 : memref<10240x128xf32, #tpu.memory_space<vmem_shared>>)
    %dma_wait3A_53 = arith.constant 0 : i32
    %dma_wait3A_54 = arith.constant 0 : i32
    %dma_wait3A_55 = tpu.memref_slice %arg9[%dma_wait3A_53, %dma_wait3A_54] : memref<1x128xi32, #tpu.memory_space<vmem>> -> memref<1x128xi32, #tpu.memory_space<vmem>>
    %dma_wait3A_56 = tpu.memref_squeeze %dma_wait3A_55 : memref<1x128xi32, #tpu.memory_space<vmem>> -> memref<128xi32, #tpu.memory_space<vmem>>
    %dma_wait3A_57 = arith.constant 0 : i32
    %dma_wait3A_58 = arith.constant 0 : i32
    %dma_wait3A_59 = tpu.memref_slice %arg16[%dma_wait3A_57, %dma_wait3A_58] : memref<10240x16xf32, #tpu.memory_space<vmem_shared>> -> memref<10240x16xf32, #tpu.memory_space<vmem_shared>>
    tpu.wait_indirect_dma semaphore(%arg24 : memref<!tpu.dma_semaphore, #tpu.memory_space<semaphore_mem>>) src(%arg12 : memref<128x16xf32, #tpu.memory_space<vmem>>) dst(%dma_wait3A_59 : memref<10240x16xf32, #tpu.memory_space<vmem_shared>>)
    %dma_start3A_60 = arith.constant 0 : i32
    %dma_start3A_61 = arith.constant 0 : i32
    %dma_start3A_62 = tpu.memref_slice %arg10[%dma_start3A_60, %dma_start3A_61] : memref<128x128xf32, #tpu.memory_space<vmem>> -> memref<16x128xf32, #tpu.memory_space<vmem>>
    %dma_start3A_63 = arith.constant 9984 : i32
    %dma_start3A_64 = arith.constant 0 : i32
    %dma_start3A_65 = tpu.memref_slice %arg2[%add3A, %dma_start3A_63, %dma_start3A_64] : memref<32x10000x128xf32, #tpu.memory_space<hbm>> -> memref<1x16x128xf32, #tpu.memory_space<hbm>>
    %dma_start3A_66 = tpu.memref_squeeze %dma_start3A_65 : memref<1x16x128xf32, #tpu.memory_space<hbm>> -> memref<16x128xf32, #tpu.memory_space<hbm>>
    %dma_start3A_67 = arith.constant 0 : i32
    %dma_start3A_68 = arith.constant 0 : i32
    %dma_start3A_69 = tpu.memref_slice %arg10[%dma_start3A_67, %dma_start3A_68] : memref<128x128xf32, #tpu.memory_space<vmem>> -> memref<16x128xf32, #tpu.memory_space<vmem>>
    %dma_start3A_70 = arith.constant 9984 : i32
    %dma_start3A_71 = arith.constant 0 : i32
    %dma_start3A_72 = tpu.memref_slice %arg2[%add3A, %dma_start3A_70, %dma_start3A_71] : memref<32x10000x128xf32, #tpu.memory_space<hbm>> -> memref<1x16x128xf32, #tpu.memory_space<hbm>>
    %dma_start3A_73 = tpu.memref_squeeze %dma_start3A_72 : memref<1x16x128xf32, #tpu.memory_space<hbm>> -> memref<16x128xf32, #tpu.memory_space<hbm>>
    tpu.enqueue_dma source(%dma_start3A_73 : memref<16x128xf32, #tpu.memory_space<hbm>>) target(%dma_start3A_69 : memref<16x128xf32, #tpu.memory_space<vmem>>) target_semaphore(%arg17 : memref<!tpu.dma_semaphore, #tpu.memory_space<semaphore_mem>>)
    %dma_start3A_74 = arith.constant 78 : i32
    %dma_start3A_75 = arith.constant 0 : i32
    %dma_start3A_76 = tpu.memref_slice %arg3[%add3A, %dma_start3A_74, %dma_start3A_75] : memref<32x79x128xi32, #tpu.memory_space<hbm>> -> memref<1x1x128xi32, #tpu.memory_space<hbm>>
    %dma_start3A_77 = tpu.memref_squeeze %dma_start3A_76 : memref<1x1x128xi32, #tpu.memory_space<hbm>> -> memref<1x128xi32, #tpu.memory_space<hbm>>
    %dma_start3A_78 = arith.constant 78 : i32
    %dma_start3A_79 = arith.constant 0 : i32
    %dma_start3A_80 = tpu.memref_slice %arg3[%add3A, %dma_start3A_78, %dma_start3A_79] : memref<32x79x128xi32, #tpu.memory_space<hbm>> -> memref<1x1x128xi32, #tpu.memory_space<hbm>>
    %dma_start3A_81 = tpu.memref_squeeze %dma_start3A_80 : memref<1x1x128xi32, #tpu.memory_space<hbm>> -> memref<1x128xi32, #tpu.memory_space<hbm>>
    tpu.enqueue_dma source(%dma_start3A_81 : memref<1x128xi32, #tpu.memory_space<hbm>>) target(%arg8 : memref<1x128xi32, #tpu.memory_space<vmem>>) target_semaphore(%arg19 : memref<!tpu.dma_semaphore, #tpu.memory_space<semaphore_mem>>)
    %dma_wait3A_82 = arith.constant 0 : i32
    %dma_wait3A_83 = arith.constant 0 : i32
    %dma_wait3A_84 = tpu.memref_slice %arg10[%dma_wait3A_82, %dma_wait3A_83] : memref<128x128xf32, #tpu.memory_space<vmem>> -> memref<16x128xf32, #tpu.memory_space<vmem>>
    %dma_wait3A_85 = arith.constant 0 : i32
    %dma_wait3A_86 = arith.constant 0 : i32
    %dma_wait3A_87 = tpu.memref_slice %arg2[%add3A, %dma_wait3A_85, %dma_wait3A_86] : memref<32x10000x128xf32, #tpu.memory_space<hbm>> -> memref<1x16x128xf32, #tpu.memory_space<hbm>>
    %dma_wait3A_88 = tpu.memref_squeeze %dma_wait3A_87 : memref<1x16x128xf32, #tpu.memory_space<hbm>> -> memref<16x128xf32, #tpu.memory_space<hbm>>
    %dma_wait3A_89 = arith.constant 0 : i32
    %dma_wait3A_90 = arith.constant 0 : i32
    %dma_wait3A_91 = tpu.memref_slice %arg10[%dma_wait3A_89, %dma_wait3A_90] : memref<128x128xf32, #tpu.memory_space<vmem>> -> memref<16x128xf32, #tpu.memory_space<vmem>>
    %dma_wait3A_92 = arith.constant 0 : i32
    %dma_wait3A_93 = arith.constant 0 : i32
    %dma_wait3A_94 = tpu.memref_slice %arg2[%add3A, %dma_wait3A_92, %dma_wait3A_93] : memref<32x10000x128xf32, #tpu.memory_space<hbm>> -> memref<1x16x128xf32, #tpu.memory_space<hbm>>
    %dma_wait3A_95 = tpu.memref_squeeze %dma_wait3A_94 : memref<1x16x128xf32, #tpu.memory_space<hbm>> -> memref<16x128xf32, #tpu.memory_space<hbm>>
    tpu.wait_dma2 semaphore(%arg17 : memref<!tpu.dma_semaphore, #tpu.memory_space<semaphore_mem>>) src(%dma_wait3A_95 : memref<16x128xf32, #tpu.memory_space<hbm>>) dst(%dma_wait3A_91 : memref<16x128xf32, #tpu.memory_space<vmem>>)
    %dma_wait3A_96 = arith.constant 0 : i32
    %dma_wait3A_97 = arith.constant 0 : i32
    %dma_wait3A_98 = tpu.memref_slice %arg3[%add3A, %dma_wait3A_96, %dma_wait3A_97] : memref<32x79x128xi32, #tpu.memory_space<hbm>> -> memref<1x1x128xi32, #tpu.memory_space<hbm>>
    %dma_wait3A_99 = tpu.memref_squeeze %dma_wait3A_98 : memref<1x1x128xi32, #tpu.memory_space<hbm>> -> memref<1x128xi32, #tpu.memory_space<hbm>>
    %dma_wait3A_100 = arith.constant 0 : i32
    %dma_wait3A_101 = arith.constant 0 : i32
    %dma_wait3A_102 = tpu.memref_slice %arg3[%add3A, %dma_wait3A_100, %dma_wait3A_101] : memref<32x79x128xi32, #tpu.memory_space<hbm>> -> memref<1x1x128xi32, #tpu.memory_space<hbm>>
    %dma_wait3A_103 = tpu.memref_squeeze %dma_wait3A_102 : memref<1x1x128xi32, #tpu.memory_space<hbm>> -> memref<1x128xi32, #tpu.memory_space<hbm>>
    tpu.wait_dma2 semaphore(%arg19 : memref<!tpu.dma_semaphore, #tpu.memory_space<semaphore_mem>>) src(%dma_wait3A_103 : memref<1x128xi32, #tpu.memory_space<hbm>>) dst(%arg8 : memref<1x128xi32, #tpu.memory_space<vmem>>)
    %dma_start3A_104 = arith.constant 0 : i32
    %dma_start3A_105 = arith.constant 0 : i32
    %dma_start3A_106 = tpu.memref_slice %arg8[%dma_start3A_104, %dma_start3A_105] : memref<1x128xi32, #tpu.memory_space<vmem>> -> memref<1x128xi32, #tpu.memory_space<vmem>>
    %dma_start3A_107 = tpu.memref_squeeze %dma_start3A_106 : memref<1x128xi32, #tpu.memory_space<vmem>> -> memref<128xi32, #tpu.memory_space<vmem>>
    %dma_start3A_108 = arith.constant 0 : i32
    %dma_start3A_109 = arith.constant 0 : i32
    %dma_start3A_110 = tpu.memref_slice %arg15[%dma_start3A_108, %dma_start3A_109] : memref<10240x128xf32, #tpu.memory_space<vmem_shared>> -> memref<10240x128xf32, #tpu.memory_space<vmem_shared>>
    tpu.enqueue_indirect_dma source(%arg10 : memref<128x128xf32, #tpu.memory_space<vmem>>) target(%dma_start3A_110 : memref<10240x128xf32, #tpu.memory_space<vmem_shared>>) offsets(%dma_start3A_107 : memref<128xi32, #tpu.memory_space<vmem>>) semaphore(%arg21 : memref<!tpu.dma_semaphore, #tpu.memory_space<semaphore_mem>>) {add = true}
    %dma_start3A_111 = arith.constant 0 : i32
    %dma_start3A_112 = arith.constant 0 : i32
    %dma_start3A_113 = tpu.memref_slice %arg8[%dma_start3A_111, %dma_start3A_112] : memref<1x128xi32, #tpu.memory_space<vmem>> -> memref<1x128xi32, #tpu.memory_space<vmem>>
    %dma_start3A_114 = tpu.memref_squeeze %dma_start3A_113 : memref<1x128xi32, #tpu.memory_space<vmem>> -> memref<128xi32, #tpu.memory_space<vmem>>
    %dma_start3A_115 = arith.constant 0 : i32
    %dma_start3A_116 = arith.constant 0 : i32
    %dma_start3A_117 = tpu.memref_slice %arg16[%dma_start3A_115, %dma_start3A_116] : memref<10240x16xf32, #tpu.memory_space<vmem_shared>> -> memref<10240x16xf32, #tpu.memory_space<vmem_shared>>
    tpu.enqueue_indirect_dma source(%arg12 : memref<128x16xf32, #tpu.memory_space<vmem>>) target(%dma_start3A_117 : memref<10240x16xf32, #tpu.memory_space<vmem_shared>>) offsets(%dma_start3A_114 : memref<128xi32, #tpu.memory_space<vmem>>) semaphore(%arg23 : memref<!tpu.dma_semaphore, #tpu.memory_space<semaphore_mem>>) {add = true}
    %dma_wait3A_118 = arith.constant 0 : i32
    %dma_wait3A_119 = arith.constant 0 : i32
    %dma_wait3A_120 = tpu.memref_slice %arg8[%dma_wait3A_118, %dma_wait3A_119] : memref<1x128xi32, #tpu.memory_space<vmem>> -> memref<1x128xi32, #tpu.memory_space<vmem>>
    %dma_wait3A_121 = tpu.memref_squeeze %dma_wait3A_120 : memref<1x128xi32, #tpu.memory_space<vmem>> -> memref<128xi32, #tpu.memory_space<vmem>>
    %dma_wait3A_122 = arith.constant 0 : i32
    %dma_wait3A_123 = arith.constant 0 : i32
    %dma_wait3A_124 = tpu.memref_slice %arg15[%dma_wait3A_122, %dma_wait3A_123] : memref<10240x128xf32, #tpu.memory_space<vmem_shared>> -> memref<10240x128xf32, #tpu.memory_space<vmem_shared>>
    tpu.wait_indirect_dma semaphore(%arg21 : memref<!tpu.dma_semaphore, #tpu.memory_space<semaphore_mem>>) src(%arg10 : memref<128x128xf32, #tpu.memory_space<vmem>>) dst(%dma_wait3A_124 : memref<10240x128xf32, #tpu.memory_space<vmem_shared>>)
    %dma_wait3A_125 = arith.constant 0 : i32
    %dma_wait3A_126 = arith.constant 0 : i32
    %dma_wait3A_127 = tpu.memref_slice %arg8[%dma_wait3A_125, %dma_wait3A_126] : memref<1x128xi32, #tpu.memory_space<vmem>> -> memref<1x128xi32, #tpu.memory_space<vmem>>
    %dma_wait3A_128 = tpu.memref_squeeze %dma_wait3A_127 : memref<1x128xi32, #tpu.memory_space<vmem>> -> memref<128xi32, #tpu.memory_space<vmem>>
    %dma_wait3A_129 = arith.constant 0 : i32
    %dma_wait3A_130 = arith.constant 0 : i32
    %dma_wait3A_131 = tpu.memref_slice %arg16[%dma_wait3A_129, %dma_wait3A_130] : memref<10240x16xf32, #tpu.memory_space<vmem_shared>> -> memref<10240x16xf32, #tpu.memory_space<vmem_shared>>
    tpu.wait_indirect_dma semaphore(%arg23 : memref<!tpu.dma_semaphore, #tpu.memory_space<semaphore_mem>>) src(%arg12 : memref<128x16xf32, #tpu.memory_space<vmem>>) dst(%dma_wait3A_131 : memref<10240x16xf32, #tpu.memory_space<vmem_shared>>)
    %barrier3A_132 = arith.constant 0 : index
    tpu.barrier barrier_id(%barrier3A_132)
    %scan3A_133 = arith.constant 0 : i32
    %scan3A_134 = arith.constant 0 : i32
    %scan3A_135 = arith.constant 10 : i32
    %scan3A_136 = arith.addi %scan3A_134, %scan3A_135 : i32
    %scan3A_137 = arith.constant 1 : i32
    %scan3A_138 = scf.for %scan3A_147 = %scan3A_134 to %scan3A_136 step %scan3A_137 iter_args(%scan3A_148 = %scan3A_133) -> (i32)  : i32 {
      %mul3A_149 = arith.constant 64 : i32
      %mul3A_150 = arith.muli %scan3A_147, %mul3A_149 : i32
      %add3A_151 = arith.addi %mul3A_2, %mul3A_150 : i32
      "tpu.region"() ({
        %run_scoped3A = tpu.sem_alloc : memref<!tpu.dma_semaphore, #tpu.memory_space<semaphore_mem>>
        %dma_start3A_201 = arith.constant 0 : i32
        %dma_start3A_202 = tpu.memref_slice %arg16[%add3A_151, %dma_start3A_201] : memref<10240x16xf32, #tpu.memory_space<vmem_shared>> -> memref<64x16xf32, #tpu.memory_space<vmem_shared>>
        %dma_start3A_203 = arith.constant 0 : i32
        %dma_start3A_204 = tpu.memref_slice %arg16[%add3A_151, %dma_start3A_203] : memref<10240x16xf32, #tpu.memory_space<vmem_shared>> -> memref<64x16xf32, #tpu.memory_space<vmem_shared>>
        tpu.enqueue_dma source(%dma_start3A_204 : memref<64x16xf32, #tpu.memory_space<vmem_shared>>) target(%arg13 : memref<64x16xf32, #tpu.memory_space<vmem>>) target_semaphore(%run_scoped3A : memref<!tpu.dma_semaphore, #tpu.memory_space<semaphore_mem>>)
        %dma_wait3A_205 = arith.constant 0 : i32
        %dma_wait3A_206 = tpu.memref_slice %arg16[%add3A_151, %dma_wait3A_205] : memref<10240x16xf32, #tpu.memory_space<vmem_shared>> -> memref<64x16xf32, #tpu.memory_space<vmem_shared>>
        %dma_wait3A_207 = arith.constant 0 : i32
        %dma_wait3A_208 = tpu.memref_slice %arg16[%add3A_151, %dma_wait3A_207] : memref<10240x16xf32, #tpu.memory_space<vmem_shared>> -> memref<64x16xf32, #tpu.memory_space<vmem_shared>>
        tpu.wait_dma2 semaphore(%run_scoped3A : memref<!tpu.dma_semaphore, #tpu.memory_space<semaphore_mem>>) src(%dma_wait3A_208 : memref<64x16xf32, #tpu.memory_space<vmem_shared>>) dst(%arg13 : memref<64x16xf32, #tpu.memory_space<vmem>>)
        tpu.yield
      }) : () -> ()
      %iota3A = tpu.iota {dimensions = array<i32: 0>} : vector<16xi32>
      %add3A_152 = arith.constant 0 : i32
      %add3A_153 = vector.broadcast %add3A_152 : i32 to vector<16xi32>
      %add3A_154 = arith.addi %iota3A, %add3A_153 : vector<16xi32>
      %broadcast_in_dim3A = arith.constant 0 : i32
      %broadcast_in_dim3A_155 = vector.broadcast %broadcast_in_dim3A : i32 to vector<16xi32>
      %gather3A = tpu.vector_load_idx %arg13[%add3A_154, %broadcast_in_dim3A_155] : memref<64x16xf32, #tpu.memory_space<vmem>>[vector<16xi32>, vector<16xi32>], vector<16xf32>,
      %mul3A_156 = arith.constant 64 : i32
      %mul3A_157 = arith.muli %scan3A_147, %mul3A_156 : i32
      %add3A_158 = arith.constant 0 : i32
      %add3A_159 = arith.addi %mul3A_157, %add3A_158 : i32
      %swap3A = arith.index_cast %add3A_159 : i32 to index
      %swap3A_160 = tpu.vector_load %arg14[%swap3A] {strides = array<i32>} : memref<640xf32, #tpu.memory_space<vmem>>, vector<16xf32>,
      tpu.vector_store %arg14[%swap3A], %gather3A {strides = array<i32>} : memref<640xf32, #tpu.memory_space<vmem>>, vector<16xf32>,
      %iota3A_161 = tpu.iota {dimensions = array<i32: 0>} : vector<16xi32>
      %add3A_162 = arith.constant 16 : i32
      %add3A_163 = vector.broadcast %add3A_162 : i32 to vector<16xi32>
      %add3A_164 = arith.addi %iota3A_161, %add3A_163 : vector<16xi32>
      %broadcast_in_dim3A_165 = arith.constant 0 : i32
      %broadcast_in_dim3A_166 = vector.broadcast %broadcast_in_dim3A_165 : i32 to vector<16xi32>
      %gather3A_167 = tpu.vector_load_idx %arg13[%add3A_164, %broadcast_in_dim3A_166] : memref<64x16xf32, #tpu.memory_space<vmem>>[vector<16xi32>, vector<16xi32>], vector<16xf32>,
      %mul3A_168 = arith.constant 64 : i32
      %mul3A_169 = arith.muli %scan3A_147, %mul3A_168 : i32
      %add3A_170 = arith.constant 16 : i32
      %add3A_171 = arith.addi %mul3A_169, %add3A_170 : i32
      %swap3A_172 = arith.index_cast %add3A_171 : i32 to index
      %swap3A_173 = tpu.vector_load %arg14[%swap3A_172] {strides = array<i32>} : memref<640xf32, #tpu.memory_space<vmem>>, vector<16xf32>,
      tpu.vector_store %arg14[%swap3A_172], %gather3A_167 {strides = array<i32>} : memref<640xf32, #tpu.memory_space<vmem>>, vector<16xf32>,
      %iota3A_174 = tpu.iota {dimensions = array<i32: 0>} : vector<16xi32>
      %add3A_175 = arith.constant 32 : i32
      %add3A_176 = vector.broadcast %add3A_175 : i32 to vector<16xi32>
      %add3A_177 = arith.addi %iota3A_174, %add3A_176 : vector<16xi32>
      %broadcast_in_dim3A_178 = arith.constant 0 : i32
      %broadcast_in_dim3A_179 = vector.broadcast %broadcast_in_dim3A_178 : i32 to vector<16xi32>
      %gather3A_180 = tpu.vector_load_idx %arg13[%add3A_177, %broadcast_in_dim3A_179] : memref<64x16xf32, #tpu.memory_space<vmem>>[vector<16xi32>, vector<16xi32>], vector<16xf32>,
      %mul3A_181 = arith.constant 64 : i32
      %mul3A_182 = arith.muli %scan3A_147, %mul3A_181 : i32
      %add3A_183 = arith.constant 32 : i32
      %add3A_184 = arith.addi %mul3A_182, %add3A_183 : i32
      %swap3A_185 = arith.index_cast %add3A_184 : i32 to index
      %swap3A_186 = tpu.vector_load %arg14[%swap3A_185] {strides = array<i32>} : memref<640xf32, #tpu.memory_space<vmem>>, vector<16xf32>,
      tpu.vector_store %arg14[%swap3A_185], %gather3A_180 {strides = array<i32>} : memref<640xf32, #tpu.memory_space<vmem>>, vector<16xf32>,
      %iota3A_187 = tpu.iota {dimensions = array<i32: 0>} : vector<16xi32>
      %add3A_188 = arith.constant 48 : i32
      %add3A_189 = vector.broadcast %add3A_188 : i32 to vector<16xi32>
      %add3A_190 = arith.addi %iota3A_187, %add3A_189 : vector<16xi32>
      %broadcast_in_dim3A_191 = arith.constant 0 : i32
      %broadcast_in_dim3A_192 = vector.broadcast %broadcast_in_dim3A_191 : i32 to vector<16xi32>
      %gather3A_193 = tpu.vector_load_idx %arg13[%add3A_190, %broadcast_in_dim3A_192] : memref<64x16xf32, #tpu.memory_space<vmem>>[vector<16xi32>, vector<16xi32>], vector<16xf32>,
      %mul3A_194 = arith.constant 64 : i32
      %mul3A_195 = arith.muli %scan3A_147, %mul3A_194 : i32
      %add3A_196 = arith.constant 48 : i32
      %add3A_197 = arith.addi %mul3A_195, %add3A_196 : i32
      %swap3A_198 = arith.index_cast %add3A_197 : i32 to index
      %swap3A_199 = tpu.vector_load %arg14[%swap3A_198] {strides = array<i32>} : memref<640xf32, #tpu.memory_space<vmem>>, vector<16xf32>,
      tpu.vector_store %arg14[%swap3A_198], %gather3A_193 {strides = array<i32>} : memref<640xf32, #tpu.memory_space<vmem>>, vector<16xf32>,
      %scan3A_200 = arith.constant 0 : i32
      scf.yield %scan3A_200 : i32
    }
    %scan3A_139 = arith.constant 10 : i32
    "tpu.region"() ({
      %run_scoped3A = tpu.sem_alloc : memref<!tpu.dma_semaphore, #tpu.memory_space<semaphore_mem>>
      %dma_start3A_147 = tpu.memref_slice %arg7[%arg0, %mul3A_2] : memref<2x10240xf32, #tpu.memory_space<hbm>> -> memref<1x640xf32, #tpu.memory_space<hbm>>
      %dma_start3A_148 = tpu.memref_squeeze %dma_start3A_147 : memref<1x640xf32, #tpu.memory_space<hbm>> -> memref<640xf32, #tpu.memory_space<hbm>>
      %dma_start3A_149 = tpu.memref_slice %arg7[%arg0, %mul3A_2] : memref<2x10240xf32, #tpu.memory_space<hbm>> -> memref<1x640xf32, #tpu.memory_space<hbm>>
      %dma_start3A_150 = tpu.memref_squeeze %dma_start3A_149 : memref<1x640xf32, #tpu.memory_space<hbm>> -> memref<640xf32, #tpu.memory_space<hbm>>
      tpu.enqueue_dma source(%arg14 : memref<640xf32, #tpu.memory_space<vmem>>) target(%dma_start3A_150 : memref<640xf32, #tpu.memory_space<hbm>>) target_semaphore(%run_scoped3A : memref<!tpu.dma_semaphore, #tpu.memory_space<semaphore_mem>>)
      %dma_wait3A_151 = tpu.memref_slice %arg7[%arg0, %mul3A_2] : memref<2x10240xf32, #tpu.memory_space<hbm>> -> memref<1x640xf32, #tpu.memory_space<hbm>>
      %dma_wait3A_152 = tpu.memref_squeeze %dma_wait3A_151 : memref<1x640xf32, #tpu.memory_space<hbm>> -> memref<640xf32, #tpu.memory_space<hbm>>
      %dma_wait3A_153 = tpu.memref_slice %arg7[%arg0, %mul3A_2] : memref<2x10240xf32, #tpu.memory_space<hbm>> -> memref<1x640xf32, #tpu.memory_space<hbm>>
      %dma_wait3A_154 = tpu.memref_squeeze %dma_wait3A_153 : memref<1x640xf32, #tpu.memory_space<hbm>> -> memref<640xf32, #tpu.memory_space<hbm>>
      tpu.wait_dma2 semaphore(%run_scoped3A : memref<!tpu.dma_semaphore, #tpu.memory_space<semaphore_mem>>) src(%arg14 : memref<640xf32, #tpu.memory_space<vmem>>) dst(%dma_wait3A_154 : memref<640xf32, #tpu.memory_space<hbm>>)
      tpu.yield
    }) : () -> ()
    %scan3A_140 = arith.constant 0 : i32
    %scan3A_141 = arith.constant 0 : i32
    %scan3A_142 = arith.constant 5 : i32
    %scan3A_143 = arith.addi %scan3A_141, %scan3A_142 : i32
    %scan3A_144 = arith.constant 1 : i32
    %scan3A_145 = scf.for %scan3A_147 = %scan3A_141 to %scan3A_143 step %scan3A_144 iter_args(%scan3A_148 = %scan3A_140) -> (i32)  : i32 {
      %mul3A_149 = arith.constant 128 : i32
      %mul3A_150 = arith.muli %scan3A_147, %mul3A_149 : i32
      %add3A_151 = arith.addi %mul3A_2, %mul3A_150 : i32
      "tpu.region"() ({
        %run_scoped3A = tpu.sem_alloc : memref<!tpu.dma_semaphore, #tpu.memory_space<semaphore_mem>>
        %dma_start3A_156 = arith.constant 0 : i32
        %dma_start3A_157 = tpu.memref_slice %arg15[%add3A_151, %dma_start3A_156] : memref<10240x128xf32, #tpu.memory_space<vmem_shared>> -> memref<128x128xf32, #tpu.memory_space<vmem_shared>>
        %dma_start3A_158 = arith.constant 0 : i32
        %dma_start3A_159 = tpu.memref_slice %arg15[%add3A_151, %dma_start3A_158] : memref<10240x128xf32, #tpu.memory_space<vmem_shared>> -> memref<128x128xf32, #tpu.memory_space<vmem_shared>>
        tpu.enqueue_dma source(%dma_start3A_159 : memref<128x128xf32, #tpu.memory_space<vmem_shared>>) target(%arg10 : memref<128x128xf32, #tpu.memory_space<vmem>>) target_semaphore(%run_scoped3A : memref<!tpu.dma_semaphore, #tpu.memory_space<semaphore_mem>>)
        %dma_wait3A_160 = arith.constant 0 : i32
        %dma_wait3A_161 = tpu.memref_slice %arg15[%add3A_151, %dma_wait3A_160] : memref<10240x128xf32, #tpu.memory_space<vmem_shared>> -> memref<128x128xf32, #tpu.memory_space<vmem_shared>>
        %dma_wait3A_162 = arith.constant 0 : i32
        %dma_wait3A_163 = tpu.memref_slice %arg15[%add3A_151, %dma_wait3A_162] : memref<10240x128xf32, #tpu.memory_space<vmem_shared>> -> memref<128x128xf32, #tpu.memory_space<vmem_shared>>
        tpu.wait_dma2 semaphore(%run_scoped3A : memref<!tpu.dma_semaphore, #tpu.memory_space<semaphore_mem>>) src(%dma_wait3A_163 : memref<128x128xf32, #tpu.memory_space<vmem_shared>>) dst(%arg10 : memref<128x128xf32, #tpu.memory_space<vmem>>)
        tpu.yield
      }) : () -> ()
      %mul3A_152 = arith.constant 128 : i32
      %mul3A_153 = arith.muli %scan3A_147, %mul3A_152 : i32
      %add3A_154 = arith.addi %mul3A_2, %mul3A_153 : i32
      "tpu.region"() ({
        %run_scoped3A = tpu.sem_alloc : memref<!tpu.dma_semaphore, #tpu.memory_space<semaphore_mem>>
        %dma_start3A_156 = arith.constant 0 : i32
        %dma_start3A_157 = tpu.memref_slice %arg6[%arg0, %add3A_154, %dma_start3A_156] : memref<2x10240x128xf32, #tpu.memory_space<hbm>> -> memref<1x128x128xf32, #tpu.memory_space<hbm>>
        %dma_start3A_158 = tpu.memref_squeeze %dma_start3A_157 : memref<1x128x128xf32, #tpu.memory_space<hbm>> -> memref<128x128xf32, #tpu.memory_space<hbm>>
        %dma_start3A_159 = arith.constant 0 : i32
        %dma_start3A_160 = tpu.memref_slice %arg6[%arg0, %add3A_154, %dma_start3A_159] : memref<2x10240x128xf32, #tpu.memory_space<hbm>> -> memref<1x128x128xf32, #tpu.memory_space<hbm>>
        %dma_start3A_161 = tpu.memref_squeeze %dma_start3A_160 : memref<1x128x128xf32, #tpu.memory_space<hbm>> -> memref<128x128xf32, #tpu.memory_space<hbm>>
        tpu.enqueue_dma source(%arg10 : memref<128x128xf32, #tpu.memory_space<vmem>>) target(%dma_start3A_161 : memref<128x128xf32, #tpu.memory_space<hbm>>) target_semaphore(%run_scoped3A : memref<!tpu.dma_semaphore, #tpu.memory_space<semaphore_mem>>)
        %dma_wait3A_162 = arith.constant 0 : i32
        %dma_wait3A_163 = tpu.memref_slice %arg6[%arg0, %add3A_154, %dma_wait3A_162] : memref<2x10240x128xf32, #tpu.memory_space<hbm>> -> memref<1x128x128xf32, #tpu.memory_space<hbm>>
        %dma_wait3A_164 = tpu.memref_squeeze %dma_wait3A_163 : memref<1x128x128xf32, #tpu.memory_space<hbm>> -> memref<128x128xf32, #tpu.memory_space<hbm>>
        %dma_wait3A_165 = arith.constant 0 : i32
        %dma_wait3A_166 = tpu.memref_slice %arg6[%arg0, %add3A_154, %dma_wait3A_165] : memref<2x10240x128xf32, #tpu.memory_space<hbm>> -> memref<1x128x128xf32, #tpu.memory_space<hbm>>
        %dma_wait3A_167 = tpu.memref_squeeze %dma_wait3A_166 : memref<1x128x128xf32, #tpu.memory_space<hbm>> -> memref<128x128xf32, #tpu.memory_space<hbm>>
        tpu.wait_dma2 semaphore(%run_scoped3A : memref<!tpu.dma_semaphore, #tpu.memory_space<semaphore_mem>>) src(%arg10 : memref<128x128xf32, #tpu.memory_space<vmem>>) dst(%dma_wait3A_167 : memref<128x128xf32, #tpu.memory_space<hbm>>)
        tpu.yield
      }) : () -> ()
      %scan3A_155 = arith.constant 0 : i32
      scf.yield %scan3A_155 : i32
    }
    %scan3A_146 = arith.constant 5 : i32
    return
  }
}

module attributes {stable_mosaic.version = 14 : i64} {
  func.func @_mlp_body(%arg0: i32, %arg1: memref<2x2048x128xf32, #tpu.memory_space<vmem>>, %arg2: memref<2x2048x1xf32, #tpu.memory_space<vmem>>, %arg3: memref<64x128xf32, #tpu.memory_space<vmem>>, %arg4: memref<1x64xf32, #tpu.memory_space<vmem>>, %arg5: memref<64x64xf32, #tpu.memory_space<vmem>>, %arg6: memref<1x64xf32, #tpu.memory_space<vmem>>, %arg7: memref<1x64xf32, #tpu.memory_space<vmem>>, %arg8: memref<1x1xf32, #tpu.memory_space<vmem>>, %arg9: memref<1x64xf32, #tpu.memory_space<vmem>>, %arg10: memref<1x1xf32, #tpu.memory_space<vmem>>, %arg11: memref<2048x1xf32, #tpu.memory_space<vmem>>, %arg12: memref<2048x1xf32, #tpu.memory_space<vmem>>, %arg13: memref<2048x1xf32, #tpu.memory_space<vmem>>) attributes {dimension_semantics = [#tpu.dimension_semantics<arbitrary>], iteration_bounds = array<i64: 5>, scalar_prefetch = 0 : i64, scratch_operands = 0 : i64, tpu.core_type = #tpu.core_type<tc>, window_params = [{transform_indices = @transform_0, window_bounds = array<i64: 2, 2048, 128>}, {transform_indices = @transform_1, window_bounds = array<i64: 2, 2048, 1>}, {pipeline_mode = #tpu.pipeline_mode<synchronous>, transform_indices = @transform_2, window_bounds = array<i64: 64, 128>}, {pipeline_mode = #tpu.pipeline_mode<synchronous>, transform_indices = @transform_3, window_bounds = array<i64: 1, 64>}, {pipeline_mode = #tpu.pipeline_mode<synchronous>, transform_indices = @transform_4, window_bounds = array<i64: 64, 64>}, {pipeline_mode = #tpu.pipeline_mode<synchronous>, transform_indices = @transform_5, window_bounds = array<i64: 1, 64>}, {pipeline_mode = #tpu.pipeline_mode<synchronous>, transform_indices = @transform_6, window_bounds = array<i64: 1, 64>}, {pipeline_mode = #tpu.pipeline_mode<synchronous>, transform_indices = @transform_7, window_bounds = array<i64: 1, 1>}, {pipeline_mode = #tpu.pipeline_mode<synchronous>, transform_indices = @transform_8, window_bounds = array<i64: 1, 64>}, {pipeline_mode = #tpu.pipeline_mode<synchronous>, transform_indices = @transform_9, window_bounds = array<i64: 1, 1>}, {transform_indices = @transform_10, window_bounds = array<i64: 2048, 1>}, {transform_indices = @transform_11, window_bounds = array<i64: 2048, 1>}, {transform_indices = @transform_12, window_bounds = array<i64: 2048, 1>}]} {
    %get3A = arith.constant 0 : index
    %get3A_0 = arith.constant 0 : index
    %get3A_1 = arith.constant 0 : index
    %get3A_2 = vector.load %arg1[%get3A, %get3A_0, %get3A_1] : memref<2x2048x128xf32, #tpu.memory_space<vmem>>, vector<1x2048x128xf32>
    %get3A_3 = vector.shape_cast %get3A_2 : vector<1x2048x128xf32> to vector<2048x128xf32>
    %get3A_4 = arith.constant 1 : index
    %get3A_5 = arith.constant 0 : index
    %get3A_6 = arith.constant 0 : index
    %get3A_7 = vector.load %arg1[%get3A_4, %get3A_5, %get3A_6] : memref<2x2048x128xf32, #tpu.memory_space<vmem>>, vector<1x2048x128xf32>
    %get3A_8 = vector.shape_cast %get3A_7 : vector<1x2048x128xf32> to vector<2048x128xf32>
    %add3A = arith.addf %get3A_3, %get3A_8 : vector<2048x128xf32>
    %get3A_9 = arith.constant 0 : index
    %get3A_10 = arith.constant 0 : index
    %get3A_11 = arith.constant 0 : index
    %get3A_12 = vector.load %arg2[%get3A_9, %get3A_10, %get3A_11] : memref<2x2048x1xf32, #tpu.memory_space<vmem>>, vector<1x2048x1xf32>
    %get3A_13 = vector.shape_cast %get3A_12 : vector<1x2048x1xf32> to vector<2048x1xf32>
    %get3A_14 = arith.constant 1 : index
    %get3A_15 = arith.constant 0 : index
    %get3A_16 = arith.constant 0 : index
    %get3A_17 = vector.load %arg2[%get3A_14, %get3A_15, %get3A_16] : memref<2x2048x1xf32, #tpu.memory_space<vmem>>, vector<1x2048x1xf32>
    %get3A_18 = vector.shape_cast %get3A_17 : vector<1x2048x1xf32> to vector<2048x1xf32>
    %add3A_19 = arith.addf %get3A_13, %get3A_18 : vector<2048x1xf32>
    %max3A = arith.constant 1.000000e+00 : f32
    %max3A_20 = vector.broadcast %max3A : f32 to vector<2048x1xf32>
    %max3A_21 = arith.maximumf %add3A_19, %max3A_20 : vector<2048x1xf32>
    %div3A = vector.broadcast %max3A_21 : vector<2048x1xf32> to vector<2048x128xf32>
    %div3A_22 = arith.divf %add3A, %div3A : vector<2048x128xf32>
    %get3A_23 = arith.constant 0 : index
    %get3A_24 = arith.constant 0 : index
    %get3A_25 = vector.load %arg3[%get3A_23, %get3A_24] : memref<64x128xf32, #tpu.memory_space<vmem>>, vector<64x128xf32>
    %dot_general3A = arith.constant dense<0.000000e+00> : vector<2048x64xf32>
    %dot_general3A_26 = tpu.matmul %div3A_22, %get3A_25, %dot_general3A {dimension_numbers = #tpu.dot_dimension_numbers<[1], [1], [0], [0], [0, 0, 1, 0], [], []>, precision = #tpu.contract_precision<fp32>, transpose_lhs_hint = false} : vector<2048x128xf32>, vector<64x128xf32>, vector<2048x64xf32> -> vector<2048x64xf32>
    %get3A_27 = arith.constant 0 : index
    %get3A_28 = arith.constant 0 : index
    %get3A_29 = vector.load %arg4[%get3A_27, %get3A_28] : memref<1x64xf32, #tpu.memory_space<vmem>>, vector<1x64xf32>
    %add3A_30 = vector.broadcast %get3A_29 : vector<1x64xf32> to vector<2048x64xf32>
    %add3A_31 = arith.addf %dot_general3A_26, %add3A_30 : vector<2048x64xf32>
    %neg3A = arith.constant 0.000000e+00 : f32
    %neg3A_32 = vector.broadcast %neg3A : f32 to vector<2048x64xf32>
    %neg3A_33 = arith.subf %neg3A_32, %add3A_31 : vector<2048x64xf32>
    %exp3A = math.exp %neg3A_33 : vector<2048x64xf32>
    %add3A_34 = arith.constant 1.000000e+00 : f32
    %add3A_35 = vector.broadcast %add3A_34 : f32 to vector<2048x64xf32>
    %add3A_36 = arith.addf %add3A_35, %exp3A : vector<2048x64xf32>
    %div3A_37 = arith.constant 1.000000e+00 : f32
    %div3A_38 = vector.broadcast %div3A_37 : f32 to vector<2048x64xf32>
    %div3A_39 = arith.divf %div3A_38, %add3A_36 : vector<2048x64xf32>
    %mul3A = arith.mulf %add3A_31, %div3A_39 : vector<2048x64xf32>
    %get3A_40 = arith.constant 0 : index
    %get3A_41 = arith.constant 0 : index
    %get3A_42 = vector.load %arg5[%get3A_40, %get3A_41] : memref<64x64xf32, #tpu.memory_space<vmem>>, vector<64x64xf32>
    %dot_general3A_43 = arith.constant dense<0.000000e+00> : vector<2048x64xf32>
    %dot_general3A_44 = tpu.matmul %mul3A, %get3A_42, %dot_general3A_43 {dimension_numbers = #tpu.dot_dimension_numbers<[1], [1], [0], [0], [0, 0, 1, 0], [], []>, precision = #tpu.contract_precision<fp32>, transpose_lhs_hint = false} : vector<2048x64xf32>, vector<64x64xf32>, vector<2048x64xf32> -> vector<2048x64xf32>
    %get3A_45 = arith.constant 0 : index
    %get3A_46 = arith.constant 0 : index
    %get3A_47 = vector.load %arg6[%get3A_45, %get3A_46] : memref<1x64xf32, #tpu.memory_space<vmem>>, vector<1x64xf32>
    %add3A_48 = vector.broadcast %get3A_47 : vector<1x64xf32> to vector<2048x64xf32>
    %add3A_49 = arith.addf %dot_general3A_44, %add3A_48 : vector<2048x64xf32>
    %neg3A_50 = arith.constant 0.000000e+00 : f32
    %neg3A_51 = vector.broadcast %neg3A_50 : f32 to vector<2048x64xf32>
    %neg3A_52 = arith.subf %neg3A_51, %add3A_49 : vector<2048x64xf32>
    %exp3A_53 = math.exp %neg3A_52 : vector<2048x64xf32>
    %add3A_54 = arith.constant 1.000000e+00 : f32
    %add3A_55 = vector.broadcast %add3A_54 : f32 to vector<2048x64xf32>
    %add3A_56 = arith.addf %add3A_55, %exp3A_53 : vector<2048x64xf32>
    %div3A_57 = arith.constant 1.000000e+00 : f32
    %div3A_58 = vector.broadcast %div3A_57 : f32 to vector<2048x64xf32>
    %div3A_59 = arith.divf %div3A_58, %add3A_56 : vector<2048x64xf32>
    %mul3A_60 = arith.mulf %add3A_49, %div3A_59 : vector<2048x64xf32>
    %get3A_61 = arith.constant 0 : index
    %get3A_62 = arith.constant 0 : index
    %get3A_63 = vector.load %arg7[%get3A_61, %get3A_62] : memref<1x64xf32, #tpu.memory_space<vmem>>, vector<1x64xf32>
    %mul3A_64 = vector.broadcast %get3A_63 : vector<1x64xf32> to vector<2048x64xf32>
    %mul3A_65 = arith.mulf %mul3A_60, %mul3A_64 : vector<2048x64xf32>
    %reduce_sum3A = arith.constant dense<0.000000e+00> : vector<2048xf32>
    %reduce_sum3A_66 = vector.multi_reduction <add>, %mul3A_65, %reduce_sum3A [1] : vector<2048x64xf32> to vector<2048xf32>
    %broadcast_in_dim3A = vector.shape_cast %reduce_sum3A_66 : vector<2048xf32> to vector<2048x1xf32>
    %get3A_67 = arith.constant 0 : index
    %get3A_68 = arith.constant 0 : index
    %get3A_69 = vector.load %arg8[%get3A_67, %get3A_68] : memref<1x1xf32, #tpu.memory_space<vmem>>, vector<1x1xf32>
    %get3A_70 = vector.extract %get3A_69[0, 0] : f32 from vector<1x1xf32>
    %add3A_71 = vector.broadcast %get3A_70 : f32 to vector<2048x1xf32>
    %add3A_72 = arith.addf %broadcast_in_dim3A, %add3A_71 : vector<2048x1xf32>
    %get3A_73 = arith.constant 0 : index
    %get3A_74 = arith.constant 0 : index
    %get3A_75 = vector.load %arg9[%get3A_73, %get3A_74] : memref<1x64xf32, #tpu.memory_space<vmem>>, vector<1x64xf32>
    %mul3A_76 = vector.broadcast %get3A_75 : vector<1x64xf32> to vector<2048x64xf32>
    %mul3A_77 = arith.mulf %mul3A_60, %mul3A_76 : vector<2048x64xf32>
    %reduce_sum3A_78 = arith.constant dense<0.000000e+00> : vector<2048xf32>
    %reduce_sum3A_79 = vector.multi_reduction <add>, %mul3A_77, %reduce_sum3A_78 [1] : vector<2048x64xf32> to vector<2048xf32>
    %broadcast_in_dim3A_80 = vector.shape_cast %reduce_sum3A_79 : vector<2048xf32> to vector<2048x1xf32>
    %get3A_81 = arith.constant 0 : index
    %get3A_82 = arith.constant 0 : index
    %get3A_83 = vector.load %arg10[%get3A_81, %get3A_82] : memref<1x1xf32, #tpu.memory_space<vmem>>, vector<1x1xf32>
    %get3A_84 = vector.extract %get3A_83[0, 0] : f32 from vector<1x1xf32>
    %add3A_85 = vector.broadcast %get3A_84 : f32 to vector<2048x1xf32>
    %add3A_86 = arith.addf %broadcast_in_dim3A_80, %add3A_85 : vector<2048x1xf32>
    %custom_jvp_call3A = arith.constant 0.000000e+00 : f32
    %max3A_87 = vector.broadcast %custom_jvp_call3A : f32 to vector<2048x1xf32>
    %max3A_88 = arith.maximumf %add3A_72, %max3A_87 : vector<2048x1xf32>
    %sub3A = vector.broadcast %custom_jvp_call3A : f32 to vector<2048x1xf32>
    %sub3A_89 = arith.subf %add3A_72, %sub3A : vector<2048x1xf32>
    %ne3A = arith.cmpf one, %sub3A_89, %sub3A_89 : vector<2048x1xf32>
    %add3A_90 = vector.broadcast %custom_jvp_call3A : f32 to vector<2048x1xf32>
    %add3A_91 = arith.addf %add3A_72, %add3A_90 : vector<2048x1xf32>
    %abs3A = math.absf %sub3A_89 : vector<2048x1xf32>
    %neg3A_92 = arith.constant 0.000000e+00 : f32
    %neg3A_93 = vector.broadcast %neg3A_92 : f32 to vector<2048x1xf32>
    %neg3A_94 = arith.subf %neg3A_93, %abs3A : vector<2048x1xf32>
    %exp3A_95 = math.exp %neg3A_94 : vector<2048x1xf32>
    %log1p3A = math.log1p %exp3A_95 : vector<2048x1xf32>
    %add3A_96 = arith.addf %max3A_88, %log1p3A : vector<2048x1xf32>
    %select_n3A = arith.select %ne3A, %add3A_91, %add3A_96 : vector<2048x1xi1>, vector<2048x1xf32>
    %add3A_97 = arith.constant 9.99999997E-7 : f32
    %add3A_98 = vector.broadcast %add3A_97 : f32 to vector<2048x1xf32>
    %add3A_99 = arith.addf %select_n3A, %add3A_98 : vector<2048x1xf32>
    %swap3A = arith.constant 0 : index
    %swap3A_100 = arith.constant 0 : index
    %swap3A_101 = vector.load %arg11[%swap3A, %swap3A_100] : memref<2048x1xf32, #tpu.memory_space<vmem>>, vector<2048x1xf32>
    tpu.vector_store %arg11[%swap3A, %swap3A_100], %add3A_99 {strides = array<i32>} : memref<2048x1xf32, #tpu.memory_space<vmem>>, vector<2048x1xf32>,
    %custom_jvp_call3A_102 = arith.constant 0.000000e+00 : f32
    %max3A_103 = vector.broadcast %custom_jvp_call3A_102 : f32 to vector<2048x1xf32>
    %max3A_104 = arith.maximumf %add3A_86, %max3A_103 : vector<2048x1xf32>
    %sub3A_105 = vector.broadcast %custom_jvp_call3A_102 : f32 to vector<2048x1xf32>
    %sub3A_106 = arith.subf %add3A_86, %sub3A_105 : vector<2048x1xf32>
    %ne3A_107 = arith.cmpf one, %sub3A_106, %sub3A_106 : vector<2048x1xf32>
    %add3A_108 = vector.broadcast %custom_jvp_call3A_102 : f32 to vector<2048x1xf32>
    %add3A_109 = arith.addf %add3A_86, %add3A_108 : vector<2048x1xf32>
    %abs3A_110 = math.absf %sub3A_106 : vector<2048x1xf32>
    %neg3A_111 = arith.constant 0.000000e+00 : f32
    %neg3A_112 = vector.broadcast %neg3A_111 : f32 to vector<2048x1xf32>
    %neg3A_113 = arith.subf %neg3A_112, %abs3A_110 : vector<2048x1xf32>
    %exp3A_114 = math.exp %neg3A_113 : vector<2048x1xf32>
    %log1p3A_115 = math.log1p %exp3A_114 : vector<2048x1xf32>
    %add3A_116 = arith.addf %max3A_104, %log1p3A_115 : vector<2048x1xf32>
    %select_n3A_117 = arith.select %ne3A_107, %add3A_109, %add3A_116 : vector<2048x1xi1>, vector<2048x1xf32>
    %add3A_118 = arith.constant 9.99999997E-7 : f32
    %add3A_119 = vector.broadcast %add3A_118 : f32 to vector<2048x1xf32>
    %add3A_120 = arith.addf %select_n3A_117, %add3A_119 : vector<2048x1xf32>
    %swap3A_121 = arith.constant 0 : index
    %swap3A_122 = arith.constant 0 : index
    %swap3A_123 = vector.load %arg12[%swap3A_121, %swap3A_122] : memref<2048x1xf32, #tpu.memory_space<vmem>>, vector<2048x1xf32>
    tpu.vector_store %arg12[%swap3A_121, %swap3A_122], %add3A_120 {strides = array<i32>} : memref<2048x1xf32, #tpu.memory_space<vmem>>, vector<2048x1xf32>,
    %swap3A_124 = arith.constant 0 : index
    %swap3A_125 = arith.constant 0 : index
    %swap3A_126 = vector.load %arg13[%swap3A_124, %swap3A_125] : memref<2048x1xf32, #tpu.memory_space<vmem>>, vector<2048x1xf32>
    tpu.vector_store %arg13[%swap3A_124, %swap3A_125], %add3A_19 {strides = array<i32>} : memref<2048x1xf32, #tpu.memory_space<vmem>>, vector<2048x1xf32>,
    return
  }
  func.func @transform_0(%arg0: i32) -> (i32, i32, i32) {
    %c0_i32 = arith.constant 0 : i32
    %c0_i32_0 = arith.constant 0 : i32
    %c0_i32_1 = arith.constant 0 : i32
    return %c0_i32, %arg0, %c0_i32_0 : i32, i32, i32
  }
  func.func @transform_1(%arg0: i32) -> (i32, i32, i32) {
    %c0_i32 = arith.constant 0 : i32
    %c0_i32_0 = arith.constant 0 : i32
    %c0_i32_1 = arith.constant 0 : i32
    return %c0_i32, %arg0, %c0_i32_0 : i32, i32, i32
  }
  func.func @transform_2(%arg0: i32) -> (i32, i32) {
    %c0_i32 = arith.constant 0 : i32
    %c0_i32_0 = arith.constant 0 : i32
    %c0_i32_1 = arith.constant 0 : i32
    return %c0_i32, %c0_i32_0 : i32, i32
  }
  func.func @transform_3(%arg0: i32) -> (i32, i32) {
    %c0_i32 = arith.constant 0 : i32
    %c0_i32_0 = arith.constant 0 : i32
    %c0_i32_1 = arith.constant 0 : i32
    return %c0_i32, %c0_i32_0 : i32, i32
  }
  func.func @transform_4(%arg0: i32) -> (i32, i32) {
    %c0_i32 = arith.constant 0 : i32
    %c0_i32_0 = arith.constant 0 : i32
    %c0_i32_1 = arith.constant 0 : i32
    return %c0_i32, %c0_i32_0 : i32, i32
  }
  func.func @transform_5(%arg0: i32) -> (i32, i32) {
    %c0_i32 = arith.constant 0 : i32
    %c0_i32_0 = arith.constant 0 : i32
    %c0_i32_1 = arith.constant 0 : i32
    return %c0_i32, %c0_i32_0 : i32, i32
  }
  func.func @transform_6(%arg0: i32) -> (i32, i32) {
    %c0_i32 = arith.constant 0 : i32
    %c0_i32_0 = arith.constant 0 : i32
    %c0_i32_1 = arith.constant 0 : i32
    return %c0_i32, %c0_i32_0 : i32, i32
  }
  func.func @transform_7(%arg0: i32) -> (i32, i32) {
    %c0_i32 = arith.constant 0 : i32
    %c0_i32_0 = arith.constant 0 : i32
    %c0_i32_1 = arith.constant 0 : i32
    return %c0_i32, %c0_i32_0 : i32, i32
  }
  func.func @transform_8(%arg0: i32) -> (i32, i32) {
    %c0_i32 = arith.constant 0 : i32
    %c0_i32_0 = arith.constant 0 : i32
    %c0_i32_1 = arith.constant 0 : i32
    return %c0_i32, %c0_i32_0 : i32, i32
  }
  func.func @transform_9(%arg0: i32) -> (i32, i32) {
    %c0_i32 = arith.constant 0 : i32
    %c0_i32_0 = arith.constant 0 : i32
    %c0_i32_1 = arith.constant 0 : i32
    return %c0_i32, %c0_i32_0 : i32, i32
  }
  func.func @transform_10(%arg0: i32) -> (i32, i32) {
    %c0_i32 = arith.constant 0 : i32
    %c0_i32_0 = arith.constant 0 : i32
    return %arg0, %c0_i32 : i32, i32
  }
  func.func @transform_11(%arg0: i32) -> (i32, i32) {
    %c0_i32 = arith.constant 0 : i32
    %c0_i32_0 = arith.constant 0 : i32
    return %arg0, %c0_i32 : i32, i32
  }
  func.func @transform_12(%arg0: i32) -> (i32, i32) {
    %c0_i32 = arith.constant 0 : i32
    %c0_i32_0 = arith.constant 0 : i32
    return %arg0, %c0_i32 : i32, i32
  }
}

</mosaic_0001>

<sc_bundles>
// kernel: kernel.12.cloned.1.call-start
scs
__scs_entry_jumppad:
0x0: {  	(pc) =	sbr.rel $0x88, $3  }
0x1: {  	(tag) =	ssettag $0x0;
	lr =	simm.s32 $0x1  }
0x2: {  	[smem:$0x3F97] =	sst lr;
	_ =	strace $0xD0000000  }
0x3: {  	_ = 	snop  }
0x4: {  	_ = 	snop  }
0x5: {  	_ = 	snop  }
0x6: {  	_ = 	snop  }
0x7: {  	_ = 	snop  }
__scs_overlays_trampoline_lowered:
0x8: {  	[smem:$0x3FA6] =	sst s0  }
0x9: {  	[smem:$0x3FA7] =	sst s1  }
0xa: {  	[smem:$0x3FA8] =	sst s2  }
0xb: {  	[smem:$0x3FA9] =	sst s3  }
0xc: {  	[smem:$0x3FAA] =	sst s4  }
0xd: {  	[smem:$0x3FAB] =	sst s5  }
0xe: {  	[smem:$0x3FAC] =	sst s6  }
0xf: {  	[smem:$0x3FAD] =	sst s7  }
0x10: {  	[smem:$0x3FAE] =	sst s8  }
0x11: {  	[smem:$0x3FAF] =	sst s9;
	s0 =	simm.s32 @!p0 $0x0  }
0x12: {  	s1 =	sld [smem:$0x3F95];
	s0 =	simm.s32 @p0 $0x1  }
0x13: {  	[smem:$0x3FB0] =	sst s0;
	s0 =	simm.s32 @!p1 $0x0  }
0x14: {  	s2 =	sld [smem:$0x3F94];
	s0 =	simm.s32 @p1 $0x1  }
0x15: {  	[smem:$0x3FB1] =	sst s0;
	s0 =	simm.s32 @!p2 $0x0  }
0x16: {  	s3 =	sld [smem:$0x3FDB];
	s0 =	simm.s32 @p2 $0x1  }
0x17: {  	s4 =	simm.s32 $0x1BF5;
	[smem:$0x3FB3] =	sst s0  }
0x18: {  	s0 =	sld [smem:$0x3F96];
	_ =	swait.ge [sflag:s4], $0x0  }
0x19: {  	s7 =	sld [smem:$0x3F97]  }
0x1a: {  	s8 =	sadd.s32 $0xFFFFE003, lr  }
0x1b: {  	s9 =	sadd.s32 $0xFFFFFEF7, lr;
	s5 =	simm.s32 $0xFFFFFFFF;
	p2 =	slt.u32 s8, $0xFFFFF086  }
0x1c: {  	p1 =	slt.u32 s9, $0xF7A;
	s5 =	simm.s32 @!p2 $0x0  }
0x1d: {  	s5 =	simm.s32 @p1 $0x1;
	p0 =	seq.s32 s7, s2  }
0x1e: {  	s7 =	smul.u32 @!p0 $0xF7A, s2;
	p2 =	seq.s32 @!p0 s5, $0x0  }
0x1f: {  	s9 =	smul.u32 $0xF7A, s1;
	s8 =	simm.s32 @!p0 $0x1BF5;
	p2 =	por !p2, p0  }
0x20: {  	[sflag:s8] =	ssyncset.s32 @!p0 $0xFFFFF086;
	s6 =	sadd.s32 @!p0 s3, s7;
	s7 =	simm.s32 @!p0 $0x108  }
0x21: {  	s3 =	sadd.s32 s3, s9;
	s6 =	sadd.s32 @!p0 $0x88, s6;
	s7 =	simm.s32 @p2 $0x1082  }
0x22: {  	[simem:s7], [sflag:s8] =	dma.local @!p0 [hbm:s6], $0xF7A  }
0x23: {  	s9 =	sor.u32 $0xD0000000, s2;
	s6 =	simm.s32 $0x108;
	_ =	swait.ge @!p0 [sflag:s8], $0x0  }
0x24: {  	s3 =	sadd.s32 $0x88, s3;
	s6 =	simm.s32 @!p1 $0x1082;
	[sflag:s4] =	ssyncset.s32 $0xFFFFF086  }
0x25: {  	[simem:s6], [sflag:s4] =	dma.local [hbm:s3], $0xF7A  }
0x26: {  	[smem:$0x3F97] =	sst s1;
	(tag) =	ssettag s2;
	_ =	strace s9  }
0x27: {  	s1 =	sld [smem:$0x3FA7]  }
0x28: {  	s2 =	sld [smem:$0x3FA8]  }
0x29: {  	s4 =	sld [smem:$0x3FAA]  }
0x2a: {  	p0 =	seq.s32 s5, $0x0;
	s5 =	sld [smem:$0x3FAB]  }
0x2b: {  	s6 =	sld [smem:$0x3FAC]  }
0x2c: {  	s7 =	sld [smem:$0x3FAD]  }
0x2d: {  	s3 =	simm.s32 $0x108;
	s8 =	sld [smem:$0x3FAE]  }
0x2e: {  	s3 =	simm.s32 @!p0 $0x1082;
	s9 =	sld [smem:$0x3FAF]  }
0x2f: {  	lr =	sadd.s32 s0, s3;
	s0 =	sld [smem:$0x3FA6]  }
0x30: {  	s3 =	sld [smem:$0x3FA9]  }
0x31: {  	[smem:$0x3FB2] =	sst s10  }
0x32: {  	s10 =	sld [smem:$0x3FB0];
	_ =	sdelay $0x3  }
0x33: {  	p0 =	seq.s32 s10, $0x1;
	s10 =	sld [smem:$0x3FB2];
	_ =	sdelay $0x3  }
0x34: {  	[smem:$0x3FB2] =	sst s10  }
0x35: {  	s10 =	sld [smem:$0x3FB1];
	_ =	sdelay $0x3  }
0x36: {  	p1 =	seq.s32 s10, $0x1;
	s10 =	sld [smem:$0x3FB2];
	_ =	sdelay $0x3  }
0x37: {  	[smem:$0x3FB2] =	sst s10  }
0x38: {  	s10 =	sld [smem:$0x3FB3]  }
0x39: {  	_ = 	snop;
	(pc) =	sbr.ind lr, $3  }
0x3a: {  	_ = 	snop  }
0x3b: {  	_ = 	snop  }
0x3c: {  	p2 =	seq.s32 s10, $0x1;
	s10 =	sld [smem:$0x3FB2]  }
0x3d: {  	_ =	shalt  }
0x3e: {  	_ =	shalt  }
0x3f: {  	_ =	shalt  }
0x40: {  	_ =	shalt  }
0x41: {  	_ =	shalt  }
0x42: {  	_ =	shalt  }
0x43: {  	_ =	shalt  }
0x44: {  	_ =	shalt  }
0x45: {  	_ =	shalt  }
0x46: {  	_ =	shalt  }
0x47: {  	_ =	shalt  }
0x48: {  	_ =	shalt  }
0x49: {  	_ =	shalt  }
0x4a: {  	_ =	shalt  }
0x4b: {  	_ =	shalt  }
0x4c: {  	_ =	shalt  }
0x4d: {  	_ =	shalt  }
0x4e: {  	_ =	shalt  }
0x4f: {  	_ =	shalt  }
0x50: {  	_ =	shalt  }
0x51: {  	_ =	shalt  }
0x52: {  	_ =	shalt  }
0x53: {  	_ =	shalt  }
0x54: {  	_ =	shalt  }
0x55: {  	_ =	shalt  }
0x56: {  	_ =	shalt  }
0x57: {  	_ =	shalt  }
0x58: {  	_ =	shalt  }
0x59: {  	_ =	shalt  }
0x5a: {  	_ =	shalt  }
0x5b: {  	_ =	shalt  }
0x5c: {  	_ =	shalt  }
0x5d: {  	_ =	shalt  }
0x5e: {  	_ =	shalt  }
0x5f: {  	_ =	shalt  }
0x60: {  	_ =	shalt  }
0x61: {  	_ =	shalt  }
0x62: {  	_ =	shalt  }
0x63: {  	_ =	shalt  }
0x64: {  	_ =	shalt  }
0x65: {  	_ =	shalt  }
0x66: {  	_ =	shalt  }
0x67: {  	_ =	shalt  }
0x68: {  	_ =	shalt  }
0x69: {  	_ =	shalt  }
0x6a: {  	_ =	shalt  }
0x6b: {  	_ =	shalt  }
0x6c: {  	_ =	shalt  }
0x6d: {  	_ =	shalt  }
0x6e: {  	_ =	shalt  }
0x6f: {  	_ =	shalt  }
0x70: {  	_ =	shalt  }
0x71: {  	_ =	shalt  }
0x72: {  	_ =	shalt  }
0x73: {  	_ =	shalt  }
0x74: {  	_ =	shalt  }
0x75: {  	_ =	shalt  }
0x76: {  	_ =	shalt  }
0x77: {  	_ =	shalt  }
0x78: {  	_ =	shalt  }
0x79: {  	_ =	shalt  }
0x7a: {  	_ =	shalt  }
0x7b: {  	_ =	shalt  }
0x7c: {  	_ =	shalt  }
0x7d: {  	_ =	shalt  }
0x7e: {  	_ =	shalt  }
0x7f: {  	_ =	shalt  }
0x80: {  	_ =	shalt  }
0x81: {  	_ =	shalt  }
0x82: {  	_ =	shalt  }
0x83: {  	_ =	shalt  }
0x84: {  	_ =	shalt  }
0x85: {  	_ =	shalt  }
0x86: {  	_ =	shalt  }
0x87: {  	_ =	shalt  }
.Lfunc_end0:
.L_simem_size_0:
called_computation.2_lowered:
.L_overlay_start_0:
0x88: {  	s2 =	sld [smem:$0x3FD9]  }
0x89: {  	s3 =	sld [smem:$0x3FFE];
	_ =	sdelay $0x1  }
0x8a: {  	s1 =	srdreg.scid  }
0x8b: {  	s0 =	sand.u32 $0x1, s1  }
0x8c: {  	s14 =	sshll.u32 s0, $0xA;
	s2 =	sadd.s32 s3, s2  }
0x8d: {  	s2 =	sadd.s32 s2, s14  }
0x8e: {  	[smem:$0x3FBE] =	sst s2  }
0x8f: {  	_ = 	snop  }
0x90: {  	s2 =	sld [smem:$0x3FD0];
	_ =	sdelay $0x2  }
0x91: {  	s4 =	simm.s32 $0xA;
	s5 =	simm.s32 $0x10;
	s15 =	sld [smem:$0x3FC8]  }
0x92: {  	[smem:s5], [sflag:s4] =	dma.local [hbm:s2], $0x1  }
0x93: {  	_ =	swait.eq [sflag:s4], $0x1  }
0x94: {  	[sflag:s4] =	ssyncset.done $0x0  }
0x95: {  	[sflag:s4] =	ssyncadd.s32 $0xFFFFFFFF  }
0x96: {  	s16 =	sld [smem:$0x12];
	(tm) =	ssettm $0x1  }
0x97: {  	s17 =	sld [smem:$0x3FFB];
	_ =	sdelay $0x3  }
0x98: {  	_ =	strace s17  }
0x99: {  	s4 =	sld [smem:$0x3FFC];
	_ =	sdelay $0x3  }
0x9a: {  	_ =	strace s4  }
0x9b: {  	s4 =	sld [smem:$0x3FFD];
	_ =	sdelay $0x3  }
0x9c: {  	_ =	strace s4  }
0x9d: {  	_ =	strace $0x8FFFFFFF  }
0x9e: {  	s18 =	sld [smem:$0x3FDB];
	_ =	sdelay $0x1  }
0x9f: {  	s19 =	simm.s32 $_scs_section_size  }
0xa0: {  	s6 =	simm.s32 $_size__tile_overlayer_lowered;
	s7 =	simm.s32 $_tile_overlayer_lowered  }
0xa1: {  	s22 =	simm.s32 $0x1BFF;
	s21 =	sshll.u32 s7, $0x1;
	s4 =	sadd.s32 s19, s18  }
0xa2: {  	s8 =	simm.s32 $0x0;
	s20 =	sshll.u32 s6, $0x1;
	s6 =	sadd.s32 s21, s4  }
0xa3: {  	[timem:s8], [sflag:s22] =	dma.local [hbm:s6], s20  }
0xa4: {  	_ =	swait.ge [sflag:s22], s20  }
0xa5: {  	s5 =	ssub.s32 $0x0, s20;
	[sflag:s22] =	ssyncset.done $0x0  }
0xa6: {  	[sflag:s22] =	ssyncadd.s32 s5;
	_ =	sdelay $0x1  }
0xa7: {  	s23 =	simm.s32 $0x1B8B  }
0xa8: {  	_ =	swait.ge [sflag:s23], $0x1  }
0xa9: {  	[sflag:s23] =	ssyncset.done $0x0  }
0xaa: {  	s25 =	simm.s32 $0x1B8E;
	s24 =	sld [smem:$0x3FFE];
	[sflag:s23] =	ssyncadd.s32 $0xFFFFFFFF  }
0xab: {  	s26 =	simm.s32 $execute0_lowered;
	[smem:$0x3FD2] =	sst s25  }
0xac: {  	s6 =	sshll.u32 s26, $0x1;
	_ =	strace $0x8000004C;
	[dreg:$0x1] =	wrdreg $0xFFFFFFFF  }
0xad: {  	s28 =	simm.s32 $_size_execute0_lowered;
	s4 =	sadd.s32 s4, s6;
	[dreg:$0x0] =	wrdreg $0x0  }
0xae: {  	s6 =	sshll.u32 s28, $0x1;
	[dreg:$0x2] =	wrdreg s4  }
0xaf: {  	[dreg:$0x3] =	wrdreg s6  }
0xb0: {  	[dreg:$0x4] =	wrdreg $0xC0  }
0xb1: {  	_ =	task [dreg:s8], $0x5FFFF  }
0xb2: {  	[dreg:$0x1] =	wrdreg $0xFFFFFFFF  }
0xb3: {  	[dreg:$0x0] =	wrdreg $0x60  }
0xb4: {  	[dreg:$0x2] =	wrdreg s16  }
0xb5: {  	[dreg:$0x3] =	wrdreg s24  }
0xb6: {  	[dreg:$0x4] =	wrdreg s15  }
0xb7: {  	[dreg:$0x5] =	wrdreg $0x9  }
0xb8: {  	_ =	task.clear_ibuf [dreg:s8], $0x6FFFF;
	_ =	strace $0x9000004C  }
0xb9: {  	s29 =	simm.s32 $0x9;
	_ =	strace $0x8000004E  }
0xba: {  	_ =	swait.ge [sflag:s29], $0x1  }
0xbb: {  	[sflag:s29] =	ssyncadd.s32 $0xFFFFFFFF  }
0xbc: {  	_ =	strace $0x9000004E  }
0xbd: {  	_ =	sfence  }
0xbe: {  	s30 =	sld [smem:$0x0];
	_ =	sdelay $0x2  }
0xbf: {  	s31 =	sshll.u32 s1, $0xD;
	s1 =	sshrl.u32 s1, $0x2  }
0xc0: {  	s3 =	sand.u32 $0x4000, s31;
	s1 =	sadd.s32 s1, s30  }
0xc1: {  	s0 =	sor.u32 s3, s0;
	s1 =	sshll.u32 s1, $0x11  }
0xc2: {  	s0 =	sor.u32 s1, s0  }
0xc3: {  	s0 =	sadd.s32 $0x8F2B, s0  }
0xc4: {  	[sflag:s0] =	ssyncadd.remote.s32 $0x1  }
0xc5: {  	_ =	sfence.sel $0xFFFF  }
0xc6: {  	[dreg:$0x0] =	wrdreg $0xFFFFFFFF;
	(pc) =	sbr.abs _section_cstart, $3  }
0xc7: {  	[dreg:$0x1] =	wrdreg $0xFFFFFFFF  }
0xc8: {  	_ =	task.clear_ibuf [dreg:s8], $0x2FFFF;
	_ =	strace $0x9FFFFFFF  }
0xc9: {  	(tm) =	ssettm $0x7FFFFFFF  }
tec
execute0_lowered:
.L_overlay_start_1:
0x0: {  	(tag) =	ssettag $0x1  }
0x1: {  	s0 =	rddreg [dreg:$0x0]  }
0x2: {  	s1 =	srdreg.scid;
	s5 =	rddreg [dreg:$0x1]  }
0x3: {  	s6 =	rddreg [dreg:$0x2];
	s2 =	stileid.u32;
	s3 =	simm.s32 $0x0  }
0x4: {  	s11 =	simm.s32 $0x4F10;
	s12 =	simm.s32 $0x9E20;
	s4 =	sand.u32 $0x1, s1  }
0x5: {  	s13 =	simm.s32 $0x0;
	s1 =	rddreg [dreg:$0x3];
	s7 =	sshll.u32 s4, $0x4  }
0x6: {  	[smem:$0x7FF] =	sst s3;
	s8 =	ssub.s32 $0x2, s4;
	s7 =	sor.u32 s2, s7  }
0x7: {  	_ =	strace $0x8000004D;
	s9 =	sshrl.u32 s8, $0x1;
	s7 =	smul.u32 $0x4E2, s7  }
0x8: {  	s4 =	sadd.s32 $0xC00, s5;
	s8 =	ssub.s32 s8, s9;
	s9 =	simm.s32 $0x2710  }
0x9: {  	s10 =	sadd.s32 s7, s5;
	s5 =	sadd.s32 s6, s7;
	s7 =	smax.u32 s8, $0x1  }
0xa: {  	s8 =	simm.s32 $0x1;
	s6 =	sadd.s32 $0x1200, s10;
	s10 =	simm.s32 $0x7710  }
.LBB2_1:
0xb: {  	[tilespmem:s3], [sflag:$0x1] =	stream.linear.gather [hbm4b:s0+s3], $0x2710, $0x38;
	[tilespmem:$0xC530] =	vst v63  }
0xc: {  	_ =	swait.ge [sflag:s8], $0x2710  }
0xd: {  	[sflag:s8] =	ssyncset.done $0x0  }
0xe: {  	[sflag:s8] =	ssyncadd.s32 $0xFFFFD8F0  }
0xf: {  	[tilespmem:s9], [sflag:$0x1] =	stream.linear.gather [hbm4b:s4+s3], $0x2800, $0x38;
	[tilespmem:$0xC530] =	vst v63  }
0x10: {  	_ =	swait.ge [sflag:s8], $0x2800  }
0x11: {  	[sflag:s8] =	ssyncset.done $0x0  }
0x12: {  	[sflag:s8] =	ssyncadd.s32 $0xFFFFD800  }
0x13: {  	[tilespmem:s10], [sflag:$0x1] =	stream.linear.gather [hbm4b:s5+s3], $0x2710, $0x38;
	[tilespmem:$0xC530] =	vst v63  }
0x14: {  	_ =	swait.ge [sflag:s8], $0x2710  }
0x15: {  	[sflag:s8] =	ssyncset.done $0x0  }
0x16: {  	s14 =	simm.s32 $0x0;
	[sflag:s8] =	ssyncadd.s32 $0xFFFFD8F0  }
.LBB2_2:
0x17: {  	s15 =	sshra.s32 s14, $0x2  }
0x18: {  	v0 =	vld [tilespmem:s15+$0x2710];
	_ =	sdelay $0x4  }
0x19: {  	vm0 =	vlt.s32 v0, $0x2800  }
0x1a: {  	p0 =	sne.s32 s14, $0x9C00;
	v1 =	vld [tilespmem:s15+$0x0]  }
.Ltmp0:
0x1b: {  	_ = 	snop;
	(pc) =	sbr.rel @p0 .LBB2_2-.Ltmp0, $2  }
0x1c: {  	_ =	sdelay $0x2  }
0x1d: {  	s14 =	sadd.s32 $0x40, s14;
	[tilespmem:v0+s11+$0x0] =	vst.idx.msk vm0, v1  }
0x1e: {  	s14 =	simm.s32 $0x0  }
0x1f: {  	v0 =	vld [tilespmem:s14+$0x7710];
	_ =	sdelay $0x7  }
0x20: {  	s15 =	simm.s32 $0x10;
	s16 =	simm.s32 $0x80;
	v0 =	vld.idx.msk [tilespmem:v0+s11+$0x0], $0xffff  }
.LBB2_4:
0x21: {  	p0 =	sne.s32 s16, $0x9C00;
	v1 =	vld [tilespmem:s15+$0x7710];
	_ =	sdelay $0x3  }
.Ltmp1:
0x22: {  	(pc) =	sbr.rel @p0 .LBB2_4-.Ltmp1, $2  }
0x23: {  	[tilespmem:s14+$0x9E20] =	vst v0;
	s14 =	smov.u32 s15;
	_ =	sdelay $0x2  }
0x24: {  	s15 =	sshra.s32 s16, $0x2;
	s16 =	sadd.s32 $0x40, s16;
	v0 =	vld.idx.msk [tilespmem:v1+s11+$0x0], $0xffff  }
0x25: {  	v1 =	vld [tilespmem:s15+$0x7710];
	_ =	sdelay $0x6  }
0x26: {  	[tilespmem:s14+$0x9E20] =	vst v0  }
0x27: {  	v0 =	vld.idx.msk [tilespmem:v1+s11+$0x0], $0xffff;
	_ =	sdelay $0x2  }
0x28: {  	s13 =	sadd.s32 $0x1, s13  }
0x29: {  	p0 =	sne.s32 s13, s7  }
.Ltmp2:
0x2a: {  	[tilespmem:s15+$0x9E20] =	vst v0;
	(pc) =	sbr.rel @p0 .LBB2_1-.Ltmp2, $4  }
0x2b: {  	[hbm4b:s6+s3] =	stream.linear.scatter [tilespmem:s12], [sflag:$0x1], $0x2710, $0x38;
	[tilespmem:$0xC530] =	vst v63  }
0x2c: {  	_ =	swait.ge [sflag:s8], $0x2710  }
0x2d: {  	[sflag:s8] =	ssyncset.done $0x0  }
0x2e: {  	[sflag:s8] =	ssyncadd.s32 $0xFFFFD8F0  }
0x2f: {  	_ =	sfence.sel $0x180000  }
0x30: {  	[bflag:$0x0] =	sbarrier.arrive $0xFFFF  }
0x31: {  	p0 =	sne.s32 s2, $0x0;
	_ =	strace $0x9000004D  }
0x32: {  	s0 =	sadd.s32 @!p0 $0x100000, s1;
	[bflag:$0x2] =	sbarrier.arrive $0xFFFF  }
0x33: {  	[sflag:s0] =	ssyncadd.tile.s32 @!p0 $0x1;
	_ =	shalt  }
.Lfunc_end2:
_tile_overlayer_lowered:
.L_overlay_start_2:
0x34: {  	(tag) =	ssettag $0x2  }
0x35: {  	s0 =	rddreg [dreg:$0x0];
	s2 =	stileid.u32  }
0x36: {  	s1 =	rddreg [dreg:$0x1];
	p0 =	sne.s32 s2, $0x0  }
0x37: {  	s3 =	rddreg [dreg:$0x2];
	[bflag:$0x3] =	sbarrier.arrive $0xFFFF;
	s2 =	simm.s32 @!p0 $0x1C01  }
0x38: {  	[timem:s3], [sflag:s2] =	dma.local @!p0 [hbm:s0], s1  }
0x39: {  	s0 =	simm.s32 @!p0 $0x1  }
0x3a: {  	_ =	swait.ge @!p0 [sflag:s0], s1  }
0x3b: {  	s1 =	ssub.s32 @!p0 $0x0, s1;
	[sflag:s0] =	ssyncset.done @!p0 $0x0  }
0x3c: {  	[sflag:s0] =	ssyncadd.s32 @!p0 s1  }
0x3d: {  	[bflag:$0x3] =	sbarrier.arrive $0xFFFF  }
0x3e: {  	_ =	shalt  }

// kernel: kernel.6.cloned.1.call-start
scs
__scs_entry_jumppad:
0x0: {  	(pc) =	sbr.rel $0x88, $3  }
0x1: {  	(tag) =	ssettag $0x0;
	lr =	simm.s32 $0x1  }
0x2: {  	[smem:$0x3F97] =	sst lr;
	_ =	strace $0xD0000000  }
0x3: {  	_ = 	snop  }
0x4: {  	_ = 	snop  }
0x5: {  	_ = 	snop  }
0x6: {  	_ = 	snop  }
0x7: {  	_ = 	snop  }
__scs_overlays_trampoline_lowered:
0x8: {  	[smem:$0x3FA6] =	sst s0  }
0x9: {  	[smem:$0x3FA7] =	sst s1  }
0xa: {  	[smem:$0x3FA8] =	sst s2  }
0xb: {  	[smem:$0x3FA9] =	sst s3  }
0xc: {  	[smem:$0x3FAA] =	sst s4  }
0xd: {  	[smem:$0x3FAB] =	sst s5  }
0xe: {  	[smem:$0x3FAC] =	sst s6  }
0xf: {  	[smem:$0x3FAD] =	sst s7  }
0x10: {  	[smem:$0x3FAE] =	sst s8  }
0x11: {  	[smem:$0x3FAF] =	sst s9;
	s0 =	simm.s32 @!p0 $0x0  }
0x12: {  	s1 =	sld [smem:$0x3F95];
	s0 =	simm.s32 @p0 $0x1  }
0x13: {  	[smem:$0x3FB0] =	sst s0;
	s0 =	simm.s32 @!p1 $0x0  }
0x14: {  	s2 =	sld [smem:$0x3F94];
	s0 =	simm.s32 @p1 $0x1  }
0x15: {  	[smem:$0x3FB1] =	sst s0;
	s0 =	simm.s32 @!p2 $0x0  }
0x16: {  	s3 =	sld [smem:$0x3FDB];
	s0 =	simm.s32 @p2 $0x1  }
0x17: {  	s4 =	simm.s32 $0x1BF5;
	[smem:$0x3FB3] =	sst s0  }
0x18: {  	s0 =	sld [smem:$0x3F96];
	_ =	swait.ge [sflag:s4], $0x0  }
0x19: {  	s7 =	sld [smem:$0x3F97]  }
0x1a: {  	s8 =	sadd.s32 $0xFFFFE003, lr  }
0x1b: {  	s9 =	sadd.s32 $0xFFFFFEF7, lr;
	s5 =	simm.s32 $0xFFFFFFFF;
	p2 =	slt.u32 s8, $0xFFFFF086  }
0x1c: {  	p1 =	slt.u32 s9, $0xF7A;
	s5 =	simm.s32 @!p2 $0x0  }
0x1d: {  	s5 =	simm.s32 @p1 $0x1;
	p0 =	seq.s32 s7, s2  }
0x1e: {  	s7 =	smul.u32 @!p0 $0xF7A, s2;
	p2 =	seq.s32 @!p0 s5, $0x0  }
0x1f: {  	s9 =	smul.u32 $0xF7A, s1;
	s8 =	simm.s32 @!p0 $0x1BF5;
	p2 =	por !p2, p0  }
0x20: {  	[sflag:s8] =	ssyncset.s32 @!p0 $0xFFFFF086;
	s6 =	sadd.s32 @!p0 s3, s7;
	s7 =	simm.s32 @!p0 $0x108  }
0x21: {  	s3 =	sadd.s32 s3, s9;
	s6 =	sadd.s32 @!p0 $0x88, s6;
	s7 =	simm.s32 @p2 $0x1082  }
0x22: {  	[simem:s7], [sflag:s8] =	dma.local @!p0 [hbm:s6], $0xF7A  }
0x23: {  	s9 =	sor.u32 $0xD0000000, s2;
	s6 =	simm.s32 $0x108;
	_ =	swait.ge @!p0 [sflag:s8], $0x0  }
0x24: {  	s3 =	sadd.s32 $0x88, s3;
	s6 =	simm.s32 @!p1 $0x1082;
	[sflag:s4] =	ssyncset.s32 $0xFFFFF086  }
0x25: {  	[simem:s6], [sflag:s4] =	dma.local [hbm:s3], $0xF7A  }
0x26: {  	[smem:$0x3F97] =	sst s1;
	(tag) =	ssettag s2;
	_ =	strace s9  }
0x27: {  	s1 =	sld [smem:$0x3FA7]  }
0x28: {  	s2 =	sld [smem:$0x3FA8]  }
0x29: {  	s4 =	sld [smem:$0x3FAA]  }
0x2a: {  	p0 =	seq.s32 s5, $0x0;
	s5 =	sld [smem:$0x3FAB]  }
0x2b: {  	s6 =	sld [smem:$0x3FAC]  }
0x2c: {  	s7 =	sld [smem:$0x3FAD]  }
0x2d: {  	s3 =	simm.s32 $0x108;
	s8 =	sld [smem:$0x3FAE]  }
0x2e: {  	s3 =	simm.s32 @!p0 $0x1082;
	s9 =	sld [smem:$0x3FAF]  }
0x2f: {  	lr =	sadd.s32 s0, s3;
	s0 =	sld [smem:$0x3FA6]  }
0x30: {  	s3 =	sld [smem:$0x3FA9]  }
0x31: {  	[smem:$0x3FB2] =	sst s10  }
0x32: {  	s10 =	sld [smem:$0x3FB0];
	_ =	sdelay $0x3  }
0x33: {  	p0 =	seq.s32 s10, $0x1;
	s10 =	sld [smem:$0x3FB2];
	_ =	sdelay $0x3  }
0x34: {  	[smem:$0x3FB2] =	sst s10  }
0x35: {  	s10 =	sld [smem:$0x3FB1];
	_ =	sdelay $0x3  }
0x36: {  	p1 =	seq.s32 s10, $0x1;
	s10 =	sld [smem:$0x3FB2];
	_ =	sdelay $0x3  }
0x37: {  	[smem:$0x3FB2] =	sst s10  }
0x38: {  	s10 =	sld [smem:$0x3FB3]  }
0x39: {  	_ = 	snop;
	(pc) =	sbr.ind lr, $3  }
0x3a: {  	_ = 	snop  }
0x3b: {  	_ = 	snop  }
0x3c: {  	p2 =	seq.s32 s10, $0x1;
	s10 =	sld [smem:$0x3FB2]  }
0x3d: {  	_ =	shalt  }
0x3e: {  	_ =	shalt  }
0x3f: {  	_ =	shalt  }
0x40: {  	_ =	shalt  }
0x41: {  	_ =	shalt  }
0x42: {  	_ =	shalt  }
0x43: {  	_ =	shalt  }
0x44: {  	_ =	shalt  }
0x45: {  	_ =	shalt  }
0x46: {  	_ =	shalt  }
0x47: {  	_ =	shalt  }
0x48: {  	_ =	shalt  }
0x49: {  	_ =	shalt  }
0x4a: {  	_ =	shalt  }
0x4b: {  	_ =	shalt  }
0x4c: {  	_ =	shalt  }
0x4d: {  	_ =	shalt  }
0x4e: {  	_ =	shalt  }
0x4f: {  	_ =	shalt  }
0x50: {  	_ =	shalt  }
0x51: {  	_ =	shalt  }
0x52: {  	_ =	shalt  }
0x53: {  	_ =	shalt  }
0x54: {  	_ =	shalt  }
0x55: {  	_ =	shalt  }
0x56: {  	_ =	shalt  }
0x57: {  	_ =	shalt  }
0x58: {  	_ =	shalt  }
0x59: {  	_ =	shalt  }
0x5a: {  	_ =	shalt  }
0x5b: {  	_ =	shalt  }
0x5c: {  	_ =	shalt  }
0x5d: {  	_ =	shalt  }
0x5e: {  	_ =	shalt  }
0x5f: {  	_ =	shalt  }
0x60: {  	_ =	shalt  }
0x61: {  	_ =	shalt  }
0x62: {  	_ =	shalt  }
0x63: {  	_ =	shalt  }
0x64: {  	_ =	shalt  }
0x65: {  	_ =	shalt  }
0x66: {  	_ =	shalt  }
0x67: {  	_ =	shalt  }
0x68: {  	_ =	shalt  }
0x69: {  	_ =	shalt  }
0x6a: {  	_ =	shalt  }
0x6b: {  	_ =	shalt  }
0x6c: {  	_ =	shalt  }
0x6d: {  	_ =	shalt  }
0x6e: {  	_ =	shalt  }
0x6f: {  	_ =	shalt  }
0x70: {  	_ =	shalt  }
0x71: {  	_ =	shalt  }
0x72: {  	_ =	shalt  }
0x73: {  	_ =	shalt  }
0x74: {  	_ =	shalt  }
0x75: {  	_ =	shalt  }
0x76: {  	_ =	shalt  }
0x77: {  	_ =	shalt  }
0x78: {  	_ =	shalt  }
0x79: {  	_ =	shalt  }
0x7a: {  	_ =	shalt  }
0x7b: {  	_ =	shalt  }
0x7c: {  	_ =	shalt  }
0x7d: {  	_ =	shalt  }
0x7e: {  	_ =	shalt  }
0x7f: {  	_ =	shalt  }
0x80: {  	_ =	shalt  }
0x81: {  	_ =	shalt  }
0x82: {  	_ =	shalt  }
0x83: {  	_ =	shalt  }
0x84: {  	_ =	shalt  }
0x85: {  	_ =	shalt  }
0x86: {  	_ =	shalt  }
0x87: {  	_ =	shalt  }
.Lfunc_end0:
.L_simem_size_0:
called_computation_lowered:
.L_overlay_start_0:
0x88: {  	s2 =	sld [smem:$0x3FD9]  }
0x89: {  	s3 =	sld [smem:$0x3FFE];
	_ =	sdelay $0x1  }
0x8a: {  	s1 =	srdreg.scid  }
0x8b: {  	s0 =	sand.u32 $0x1, s1  }
0x8c: {  	s14 =	sshll.u32 s0, $0xA;
	s2 =	sadd.s32 s3, s2  }
0x8d: {  	s2 =	sadd.s32 s2, s14  }
0x8e: {  	[smem:$0x3FBE] =	sst s2  }
0x8f: {  	_ = 	snop  }
0x90: {  	s2 =	sld [smem:$0x3FD0];
	_ =	sdelay $0x2  }
0x91: {  	s4 =	simm.s32 $0xA;
	s5 =	simm.s32 $0x10;
	s15 =	sld [smem:$0x3FC9]  }
0x92: {  	[smem:s5], [sflag:s4] =	dma.local [hbm:s2], $0x1  }
0x93: {  	_ =	swait.eq [sflag:s4], $0x1  }
0x94: {  	[sflag:s4] =	ssyncset.done $0x0  }
0x95: {  	[sflag:s4] =	ssyncadd.s32 $0xFFFFFFFF  }
0x96: {  	s16 =	sld [smem:$0x12];
	(tm) =	ssettm $0x1  }
0x97: {  	s17 =	sld [smem:$0x3FFB];
	_ =	sdelay $0x3  }
0x98: {  	_ =	strace s17  }
0x99: {  	s4 =	sld [smem:$0x3FFC];
	_ =	sdelay $0x3  }
0x9a: {  	_ =	strace s4  }
0x9b: {  	s4 =	sld [smem:$0x3FFD];
	_ =	sdelay $0x3  }
0x9c: {  	_ =	strace s4  }
0x9d: {  	_ =	strace $0x8FFFFFFF  }
0x9e: {  	s18 =	sld [smem:$0x3FDB];
	_ =	sdelay $0x1  }
0x9f: {  	s19 =	simm.s32 $_scs_section_size  }
0xa0: {  	s6 =	simm.s32 $_size__tile_overlayer_lowered;
	s7 =	simm.s32 $_tile_overlayer_lowered  }
0xa1: {  	s22 =	simm.s32 $0x1BFF;
	s21 =	sshll.u32 s7, $0x1;
	s4 =	sadd.s32 s19, s18  }
0xa2: {  	s8 =	simm.s32 $0x0;
	s20 =	sshll.u32 s6, $0x1;
	s6 =	sadd.s32 s21, s4  }
0xa3: {  	[timem:s8], [sflag:s22] =	dma.local [hbm:s6], s20  }
0xa4: {  	_ =	swait.ge [sflag:s22], s20  }
0xa5: {  	s5 =	ssub.s32 $0x0, s20;
	[sflag:s22] =	ssyncset.done $0x0  }
0xa6: {  	[sflag:s22] =	ssyncadd.s32 s5;
	_ =	sdelay $0x1  }
0xa7: {  	s23 =	simm.s32 $0x1B8B  }
0xa8: {  	_ =	swait.ge [sflag:s23], $0x1  }
0xa9: {  	[sflag:s23] =	ssyncset.done $0x0  }
0xaa: {  	s25 =	simm.s32 $0x1B8E;
	s24 =	sld [smem:$0x3FFE];
	[sflag:s23] =	ssyncadd.s32 $0xFFFFFFFF  }
0xab: {  	s26 =	simm.s32 $execute0_lowered;
	[smem:$0x3FD2] =	sst s25  }
0xac: {  	s6 =	sshll.u32 s26, $0x1;
	_ =	strace $0x80000046;
	[dreg:$0x1] =	wrdreg $0xFFFFFFFF  }
0xad: {  	s28 =	simm.s32 $_size_execute0_lowered;
	s4 =	sadd.s32 s4, s6;
	[dreg:$0x0] =	wrdreg $0x0  }
0xae: {  	s6 =	sshll.u32 s28, $0x1;
	[dreg:$0x2] =	wrdreg s4  }
0xaf: {  	[dreg:$0x3] =	wrdreg s6  }
0xb0: {  	[dreg:$0x4] =	wrdreg $0xC0  }
0xb1: {  	_ =	task [dreg:s8], $0x5FFFF  }
0xb2: {  	[dreg:$0x1] =	wrdreg $0xFFFFFFFF  }
0xb3: {  	[dreg:$0x0] =	wrdreg $0x60  }
0xb4: {  	[dreg:$0x2] =	wrdreg s15  }
0xb5: {  	[dreg:$0x3] =	wrdreg s24  }
0xb6: {  	[dreg:$0x4] =	wrdreg s16  }
0xb7: {  	[dreg:$0x5] =	wrdreg $0x8F800  }
0xb8: {  	[dreg:$0x6] =	wrdreg $0x1CF800  }
0xb9: {  	[dreg:$0x7] =	wrdreg $0x9  }
0xba: {  	_ =	task.clear_ibuf [dreg:s8], $0x8FFFF;
	_ =	strace $0x90000046  }
0xbb: {  	s29 =	simm.s32 $0x9;
	_ =	strace $0x80000048  }
0xbc: {  	_ =	swait.ge [sflag:s29], $0x1  }
0xbd: {  	[sflag:s29] =	ssyncadd.s32 $0xFFFFFFFF  }
0xbe: {  	_ =	strace $0x90000048  }
0xbf: {  	_ =	sfence  }
0xc0: {  	s30 =	sld [smem:$0x0];
	_ =	sdelay $0x2  }
0xc1: {  	s31 =	sshll.u32 s1, $0xD;
	s1 =	sshrl.u32 s1, $0x2  }
0xc2: {  	s3 =	sand.u32 $0x4000, s31;
	s1 =	sadd.s32 s1, s30  }
0xc3: {  	s0 =	sor.u32 s3, s0;
	s1 =	sshll.u32 s1, $0x11  }
0xc4: {  	s0 =	sor.u32 s1, s0  }
0xc5: {  	s0 =	sadd.s32 $0x8F2B, s0  }
0xc6: {  	[sflag:s0] =	ssyncadd.remote.s32 $0x1  }
0xc7: {  	_ =	sfence.sel $0xFFFF  }
0xc8: {  	[dreg:$0x0] =	wrdreg $0xFFFFFFFF;
	(pc) =	sbr.abs _section_cstart, $3  }
0xc9: {  	[dreg:$0x1] =	wrdreg $0xFFFFFFFF  }
0xca: {  	_ =	task.clear_ibuf [dreg:s8], $0x2FFFF;
	_ =	strace $0x9FFFFFFF  }
0xcb: {  	(tm) =	ssettm $0x7FFFFFFF  }
tec
execute0_lowered:
.L_overlay_start_1:
0x0: {  	(tag) =	ssettag $0x1  }
0x1: {  	s5 =	rddreg [dreg:$0x0];
	s19 =	stileid.u32  }
0x2: {  	s0 =	rddreg [dreg:$0x1];
	s4 =	smul.u32 $0x14000, s19  }
0x3: {  	s2 =	srdreg.scid;
	s8 =	smul.u32 $0x280, s19  }
0x4: {  	s6 =	rddreg [dreg:$0x2];
	s7 =	sand.u32 $0x1, s2;
	s14 =	smul.u32 $0x2800, s19  }
0x5: {  	s1 =	rddreg [dreg:$0x3];
	s3 =	simm.s32 $0x0;
	s9 =	smul.u32 $0x2800, s7  }
0x6: {  	s28 =	simm.s32 $0x8100;
	s2 =	rddreg [dreg:$0x4];
	s17 =	smul.u32 $0x140000, s7  }
0x7: {  	[smem:$0x7FF] =	sst s3;
	s11 =	sadd.s32 $0x32800, s0;
	s26 =	smul.u32 $0x1388000, s7  }
0x8: {  	s16 =	ssub.s32 $0x2, s7;
	s13 =	sshll.u32 s7, $0x4;
	s7 =	smul.u32 $0x27800, s7  }
0x9: {  	s10 =	sshrl.u32 s4, $0x3;
	s12 =	sshrl.u32 s16, $0x1;
	s18 =	sadd.s32 $0x4000, s4  }
0xa: {  	s20 =	sadd.s32 $0x8000, s4;
	s8 =	sadd.s32 s8, s9;
	s9 =	ssub.s32 s16, s12  }
0xb: {  	s12 =	sor.u32 s19, s13;
	s16 =	sshrl.u32 s14, $0x3;
	s21 =	sadd.s32 s17, s4  }
0xc: {  	s22 =	sadd.s32 s17, s18;
	s24 =	sadd.s32 s17, s20;
	s10 =	sadd.s32 s10, s0  }
0xd: {  	s15 =	smul.u32 $0x138800, s12;
	s6 =	sadd.s32 s6, s16;
	s16 =	sshrl.u32 s22, $0x3  }
0xe: {  	s8 =	sshrl.u32 s8, $0x3;
	[dreg:$0x6] =	wrdreg s6;
	s6 =	sshrl.u32 s21, $0x3  }
0xf: {  	s23 =	sadd.s32 s11, s16;
	s21 =	sadd.s32 $0xC000, s4;
	s16 =	smul.u32 $0x2780, s19  }
0x10: {  	s6 =	sadd.s32 s11, s6;
	[dreg:$0x8] =	wrdreg s23;
	s23 =	sadd.s32 $0x10000, s4  }
0x11: {  	s25 =	sadd.s32 s17, s21;
	[dreg:$0x7] =	wrdreg s6;
	s6 =	sshrl.u32 s24, $0x3  }
0x12: {  	s15 =	sshrl.u32 s15, $0x3;
	s13 =	sadd.s32 s17, s23;
	s6 =	sadd.s32 s11, s6  }
0x13: {  	s13 =	sshrl.u32 s13, $0x3;
	[dreg:$0x9] =	wrdreg s6;
	s6 =	sshrl.u32 s25, $0x3  }
0x14: {  	s6 =	sadd.s32 s11, s6;
	s11 =	sadd.s32 s11, s13;
	s13 =	smul.u32 $0x138800, s19  }
0x15: {  	s14 =	sadd.s32 s14, s2;
	s8 =	sadd.s32 s8, s0;
	s24 =	sadd.s32 s5, s15  }
0x16: {  	s7 =	sadd.s32 s16, s7;
	[dreg:$0xa] =	wrdreg s6;
	s6 =	sadd.s32 s13, s26  }
0x17: {  	s17 =	smul.u32 $0x2780, s12;
	s25 =	sadd.s32 $0x200, s7;
	s22 =	sadd.s32 $0x10000, s6  }
0x18: {  	[dreg:$0xb] =	wrdreg s11;
	s6 =	sadd.s32 $0xC000, s6;
	s12 =	sshrl.u32 s22, $0x3  }
0x19: {  	s11 =	sshrl.u32 s17, $0x3;
	s6 =	sshrl.u32 s6, $0x3;
	s12 =	sadd.s32 s12, s5  }
0x1a: {  	s26 =	sadd.s32 $0x180, s7;
	s5 =	sadd.s32 s6, s5;
	[dreg:$0xd] =	wrdreg s12  }
0x1b: {  	[dreg:$0xe] =	wrdreg s5;
	s5 =	sshrl.u32 s25, $0x3;
	s12 =	sadd.s32 $0x9E00, s10  }
0x1c: {  	s25 =	sadd.s32 $0x31E00, s8;
	_ =	strace $0x80000047;
	[dreg:$0x10] =	wrdreg s12  }
0x1d: {  	s6 =	sshrl.u32 s26, $0x3;
	s26 =	smax.u32 s9, $0x1;
	[dreg:$0x11] =	wrdreg s25  }
0x1e: {  	s16 =	sadd.s32 s6, s0;
	s6 =	sadd.s32 s20, s1;
	[dreg:$0x12] =	wrdreg s26  }
0x1f: {  	s11 =	sadd.s32 s0, s11;
	s8 =	sadd.s32 s23, s1;
	[dreg:$0x14] =	wrdreg s6  }
0x20: {  	s7 =	smul.u32 $0xA000, s19;
	s9 =	sshrl.u32 s14, $0x3;
	[dreg:$0x16] =	wrdreg s8  }
0x21: {  	s13 =	sshll.u32 s19, $0x6;
	s10 =	sadd.s32 $0x800, s24;
	[dreg:$0x17] =	wrdreg s9  }
0x22: {  	s19 =	sor.u32 $0x1C09, s13;
	s13 =	sadd.s32 $0x27000, s24;
	[dreg:$0x18] =	wrdreg s10  }
0x23: {  	s29 =	simm.s32 $0x2;
	s14 =	sadd.s32 $0x4E0, s11;
	[dreg:$0x1a] =	wrdreg s13  }
0x24: {  	s30 =	simm.s32 $0x4;
	s31 =	simm.s32 $0x5;
	[dreg:$0x1b] =	wrdreg s14  }
0x25: {  	s17 =	sadd.s32 s4, s1;
	s4 =	simm.s32 $0x8;
	[dreg:$0xc] =	wrdreg s24  }
0x26: {  	s20 =	sadd.s32 $0x20, s11;
	s15 =	sadd.s32 s5, s0;
	[dreg:$0xf] =	wrdreg s11  }
0x27: {  	s0 =	sshrl.u32 s7, $0x2;
	s5 =	sadd.s32 s18, s1;
	[dreg:$0x1d] =	wrdreg s20  }
0x28: {  	s7 =	sadd.s32 s21, s1;
	s12 =	sadd.s32 $0x10, s11;
	[dreg:$0x13] =	wrdreg s5  }
0x29: {  	s18 =	sadd.s32 $0x1000, s24;
	s10 =	simm.s32 $0x3;
	[dreg:$0x15] =	wrdreg s7  }
0x2a: {  	s13 =	simm.s32 $0x7;
	s6 =	simm.s32 $0x0;
	[dreg:$0x19] =	wrdreg s12  }
0x2b: {  	s22 =	sadd.s32 s0, s2;
	[dreg:$0x1c] =	wrdreg s18;
	s0 =	simm.s32 $0x6  }
0x2c: {  	s5 =	simm.s32 $0x8900;
	s21 =	sadd.s32 $0x400, s22;
	s23 =	sadd.s32 $0x800, s22  }
0x2d: {  	s24 =	sadd.s32 $0xC00, s22;
	s25 =	sadd.s32 $0x1000, s22;
	[dreg:$0x1e] =	wrdreg s21  }
.Ltmp0:
0x2e: {  	s26 =	sadd.s32 $0x1400, s22;
	[dreg:$0x1f] =	wrdreg s23;
	(pc) =	sbr.rel .LBB2_1-.Ltmp0, $4  }
0x2f: {  	v0 =	vlaneseq.u32;
	s11 =	sadd.s32 $0x1800, s22;
	s12 =	sadd.s32 $0x1C00, s22;
	[smem:$0x7FB] =	sst s24  }
0x30: {  	v0 =	vmul.u32 $0x10, v0;
	s18 =	sadd.s32 $0x2000, s22;
	s20 =	sadd.s32 $0x2400, s22;
	[smem:$0x7FC] =	sst s25  }
0x31: {  	v1 =	vimm.f32 $1.000000000e+00;
	[smem:$0x7FD] =	sst s26;
	s21 =	simm.s32 $0x100;
	s23 =	simm.s32 $0x4100  }
0x32: {  	v2 =	vor.u32 $0x100, v0;
	v3 =	vor.u32 $0x200, v0;
	v4 =	vor.u32 $0x300, v0;
	s24 =	simm.s32 $0x80;
	s25 =	simm.s32 $0x9;
	s26 =	simm.s32 $0x1  }
.LBB2_6:
0x33: {  	_ =	swait.ge [sflag:s0], $0x4000  }
0x34: {  	[sflag:s0] =	ssyncset.done $0x0  }
0x35: {  	[sflag:s0] =	ssyncadd.s32 $0xFFFFC000  }
0x36: {  	_ =	swait.ge [sflag:s4], $0x800  }
0x37: {  	[sflag:s4] =	ssyncset.done $0x0  }
0x38: {  	s7 =	rddreg [dreg:$0x1a];
	[sflag:s4] =	ssyncadd.s32 $0xFFFFF800  }
0x39: {  	[tilespmem:s21], [sflag:$0x1] =	stream.linear.gather [hbm4b:s7+s3], $0x800, $0x38;
	[tilespmem:$0x1F780] =	vst v63  }
0x3a: {  	s9 =	rddreg [dreg:$0x1b]  }
0x3b: {  	[tilespmem:s3], [sflag:$0x3] =	stream.linear.gather [hbm4b:s9+s3], $0x80, $0x38;
	[tilespmem:$0x1F780] =	vst v63  }
0x3c: {  	_ =	swait.ge [sflag:s26], $0x800  }
0x3d: {  	[sflag:s26] =	ssyncset.done $0x0  }
0x3e: {  	[sflag:s26] =	ssyncadd.s32 $0xFFFFF800  }
0x3f: {  	_ =	swait.ge [sflag:s10], $0x80  }
0x40: {  	[sflag:s10] =	ssyncset.done $0x0  }
0x41: {  	[sflag:s10] =	ssyncadd.s32 $0xFFFFFF80  }
0x42: {  	[spmem:s1] =	stream.indirect.scatter.add.f32 [tilespmem:s21], [sflag:$0x5], $0x80, s3, s24, $0xb8;
	[tilespmem:$0x1F780] =	vst v63  }
0x43: {  	_ = 	snop  }
0x44: {  	[spmem:s2] =	stream.indirect.scatter.add.f32 [tilespmem:s28], [sflag:$0x7], $0x10, s3, s24, $0xb8;
	[tilespmem:$0x1F780] =	vst v63  }
0x45: {  	_ =	swait.ge [sflag:s31], $0x4000  }
0x46: {  	[sflag:s31] =	ssyncset.done $0x0  }
0x47: {  	[sflag:s31] =	ssyncadd.s32 $0xFFFFC000  }
0x48: {  	_ =	swait.ge [sflag:s13], $0x800  }
0x49: {  	[sflag:s13] =	ssyncset.done $0x0  }
0x4a: {  	[sflag:s13] =	ssyncadd.s32 $0xFFFFF800  }
0x4b: {  	[bflag:$0x0] =	sbarrier.arrive $0xFFFF  }
0x4c: {  	[tilespmem:s5], [sflag:$0x9] =	stream.linear.gather [spmem:s22], $0x400, $0x38;
	[tilespmem:$0x1F780] =	vst v63  }
0x4d: {  	_ =	swait.ge [sflag:s25], $0x400  }
0x4e: {  	[sflag:s25] =	ssyncset.done $0x0  }
0x4f: {  	[sflag:s25] =	ssyncadd.s32 $0xFFFFFC00  }
0x50: {  	v5 =	vld.idx.msk [tilespmem:v0+s5+$0x0], $0xffff;
	_ =	sdelay $0x4  }
0x51: {  	[tilespmem:$0x8D00] =	vst v5  }
0x52: {  	v5 =	vld.idx.msk [tilespmem:v2+s5+$0x0], $0xffff;
	_ =	sdelay $0x4  }
0x53: {  	[tilespmem:$0x8D10] =	vst v5  }
0x54: {  	v5 =	vld.idx.msk [tilespmem:v3+s5+$0x0], $0xffff;
	_ =	sdelay $0x4  }
0x55: {  	[tilespmem:$0x8D20] =	vst v5  }
0x56: {  	v5 =	vld.idx.msk [tilespmem:v4+s5+$0x0], $0xffff;
	_ =	sdelay $0x4  }
0x57: {  	s14 =	rddreg [dreg:$0x1e];
	[tilespmem:$0x8D30] =	vst v5  }
0x58: {  	[tilespmem:s5], [sflag:$0x9] =	stream.linear.gather [spmem:s14], $0x400, $0x38;
	[tilespmem:$0x1F780] =	vst v63  }
0x59: {  	_ =	swait.ge [sflag:s25], $0x400  }
0x5a: {  	[sflag:s25] =	ssyncset.done $0x0  }
0x5b: {  	[sflag:s25] =	ssyncadd.s32 $0xFFFFFC00  }
0x5c: {  	v5 =	vld.idx.msk [tilespmem:v0+s5+$0x0], $0xffff;
	_ =	sdelay $0x4  }
0x5d: {  	[tilespmem:$0x8D40] =	vst v5  }
0x5e: {  	v5 =	vld.idx.msk [tilespmem:v2+s5+$0x0], $0xffff;
	_ =	sdelay $0x4  }
0x5f: {  	[tilespmem:$0x8D50] =	vst v5  }
0x60: {  	v5 =	vld.idx.msk [tilespmem:v3+s5+$0x0], $0xffff;
	_ =	sdelay $0x4  }
0x61: {  	[tilespmem:$0x8D60] =	vst v5  }
0x62: {  	v5 =	vld.idx.msk [tilespmem:v4+s5+$0x0], $0xffff;
	_ =	sdelay $0x4  }
0x63: {  	s8 =	rddreg [dreg:$0x1f];
	[tilespmem:$0x8D70] =	vst v5  }
0x64: {  	[tilespmem:s5], [sflag:$0x9] =	stream.linear.gather [spmem:s8], $0x400, $0x38;
	[tilespmem:$0x1F780] =	vst v63  }
0x65: {  	_ =	swait.ge [sflag:s25], $0x400  }
0x66: {  	[sflag:s25] =	ssyncset.done $0x0  }
0x67: {  	[sflag:s25] =	ssyncadd.s32 $0xFFFFFC00  }
0x68: {  	v5 =	vld.idx.msk [tilespmem:v0+s5+$0x0], $0xffff;
	_ =	sdelay $0x4  }
0x69: {  	[tilespmem:$0x8D80] =	vst v5  }
0x6a: {  	v5 =	vld.idx.msk [tilespmem:v2+s5+$0x0], $0xffff;
	_ =	sdelay $0x4  }
0x6b: {  	[tilespmem:$0x8D90] =	vst v5  }
0x6c: {  	v5 =	vld.idx.msk [tilespmem:v3+s5+$0x0], $0xffff;
	_ =	sdelay $0x4  }
0x6d: {  	[tilespmem:$0x8DA0] =	vst v5  }
0x6e: {  	v5 =	vld.idx.msk [tilespmem:v4+s5+$0x0], $0xffff;
	_ =	sdelay $0x2  }
0x6f: {  	s9 =	sld [smem:$0x7FB];
	_ =	sdelay $0x1  }
0x70: {  	[tilespmem:$0x8DB0] =	vst v5  }
0x71: {  	[tilespmem:s5], [sflag:$0x9] =	stream.linear.gather [spmem:s9], $0x400, $0x38;
	[tilespmem:$0x1F780] =	vst v63  }
0x72: {  	_ =	swait.ge [sflag:s25], $0x400  }
0x73: {  	[sflag:s25] =	ssyncset.done $0x0  }
0x74: {  	[sflag:s25] =	ssyncadd.s32 $0xFFFFFC00  }
0x75: {  	v5 =	vld.idx.msk [tilespmem:v0+s5+$0x0], $0xffff;
	_ =	sdelay $0x4  }
0x76: {  	[tilespmem:$0x8DC0] =	vst v5  }
0x77: {  	v5 =	vld.idx.msk [tilespmem:v2+s5+$0x0], $0xffff;
	_ =	sdelay $0x4  }
0x78: {  	[tilespmem:$0x8DD0] =	vst v5  }
0x79: {  	v5 =	vld.idx.msk [tilespmem:v3+s5+$0x0], $0xffff;
	_ =	sdelay $0x4  }
0x7a: {  	[tilespmem:$0x8DE0] =	vst v5  }
0x7b: {  	v5 =	vld.idx.msk [tilespmem:v4+s5+$0x0], $0xffff;
	_ =	sdelay $0x2  }
0x7c: {  	s14 =	sld [smem:$0x7FC];
	_ =	sdelay $0x1  }
0x7d: {  	[tilespmem:$0x8DF0] =	vst v5  }
0x7e: {  	[tilespmem:s5], [sflag:$0x9] =	stream.linear.gather [spmem:s14], $0x400, $0x38;
	[tilespmem:$0x1F780] =	vst v63  }
0x7f: {  	_ =	swait.ge [sflag:s25], $0x400  }
0x80: {  	[sflag:s25] =	ssyncset.done $0x0  }
0x81: {  	[sflag:s25] =	ssyncadd.s32 $0xFFFFFC00  }
0x82: {  	v5 =	vld.idx.msk [tilespmem:v0+s5+$0x0], $0xffff;
	_ =	sdelay $0x4  }
0x83: {  	[tilespmem:$0x8E00] =	vst v5  }
0x84: {  	v5 =	vld.idx.msk [tilespmem:v2+s5+$0x0], $0xffff;
	_ =	sdelay $0x4  }
0x85: {  	[tilespmem:$0x8E10] =	vst v5  }
0x86: {  	v5 =	vld.idx.msk [tilespmem:v3+s5+$0x0], $0xffff;
	_ =	sdelay $0x4  }
0x87: {  	[tilespmem:$0x8E20] =	vst v5  }
0x88: {  	v5 =	vld.idx.msk [tilespmem:v4+s5+$0x0], $0xffff;
	_ =	sdelay $0x2  }
0x89: {  	s8 =	sld [smem:$0x7FD];
	_ =	sdelay $0x1  }
0x8a: {  	[tilespmem:$0x8E30] =	vst v5  }
0x8b: {  	[tilespmem:s5], [sflag:$0x9] =	stream.linear.gather [spmem:s8], $0x400, $0x38;
	[tilespmem:$0x1F780] =	vst v63  }
0x8c: {  	_ =	swait.ge [sflag:s25], $0x400  }
0x8d: {  	[sflag:s25] =	ssyncset.done $0x0  }
0x8e: {  	[sflag:s25] =	ssyncadd.s32 $0xFFFFFC00  }
0x8f: {  	v5 =	vld.idx.msk [tilespmem:v0+s5+$0x0], $0xffff;
	_ =	sdelay $0x4  }
0x90: {  	[tilespmem:$0x8E40] =	vst v5  }
0x91: {  	v5 =	vld.idx.msk [tilespmem:v2+s5+$0x0], $0xffff;
	_ =	sdelay $0x4  }
0x92: {  	[tilespmem:$0x8E50] =	vst v5  }
0x93: {  	v5 =	vld.idx.msk [tilespmem:v3+s5+$0x0], $0xffff;
	_ =	sdelay $0x4  }
0x94: {  	[tilespmem:$0x8E60] =	vst v5  }
0x95: {  	v5 =	vld.idx.msk [tilespmem:v4+s5+$0x0], $0xffff;
	_ =	sdelay $0x4  }
0x96: {  	[tilespmem:$0x8E70] =	vst v5  }
0x97: {  	[tilespmem:s5], [sflag:$0x9] =	stream.linear.gather [spmem:s11], $0x400, $0x38;
	[tilespmem:$0x1F780] =	vst v63  }
0x98: {  	_ =	swait.ge [sflag:s25], $0x400  }
0x99: {  	[sflag:s25] =	ssyncset.done $0x0  }
0x9a: {  	[sflag:s25] =	ssyncadd.s32 $0xFFFFFC00  }
0x9b: {  	v5 =	vld.idx.msk [tilespmem:v0+s5+$0x0], $0xffff;
	_ =	sdelay $0x4  }
0x9c: {  	[tilespmem:$0x8E80] =	vst v5  }
0x9d: {  	v5 =	vld.idx.msk [tilespmem:v2+s5+$0x0], $0xffff;
	_ =	sdelay $0x4  }
0x9e: {  	[tilespmem:$0x8E90] =	vst v5  }
0x9f: {  	v5 =	vld.idx.msk [tilespmem:v3+s5+$0x0], $0xffff;
	_ =	sdelay $0x4  }
0xa0: {  	[tilespmem:$0x8EA0] =	vst v5  }
0xa1: {  	v5 =	vld.idx.msk [tilespmem:v4+s5+$0x0], $0xffff;
	_ =	sdelay $0x4  }
0xa2: {  	[tilespmem:$0x8EB0] =	vst v5  }
0xa3: {  	[tilespmem:s5], [sflag:$0x9] =	stream.linear.gather [spmem:s12], $0x400, $0x38;
	[tilespmem:$0x1F780] =	vst v63  }
0xa4: {  	_ =	swait.ge [sflag:s25], $0x400  }
0xa5: {  	[sflag:s25] =	ssyncset.done $0x0  }
0xa6: {  	[sflag:s25] =	ssyncadd.s32 $0xFFFFFC00  }
0xa7: {  	v5 =	vld.idx.msk [tilespmem:v0+s5+$0x0], $0xffff;
	_ =	sdelay $0x4  }
0xa8: {  	[tilespmem:$0x8EC0] =	vst v5  }
0xa9: {  	v5 =	vld.idx.msk [tilespmem:v2+s5+$0x0], $0xffff;
	_ =	sdelay $0x4  }
0xaa: {  	[tilespmem:$0x8ED0] =	vst v5  }
0xab: {  	v5 =	vld.idx.msk [tilespmem:v3+s5+$0x0], $0xffff;
	_ =	sdelay $0x4  }
0xac: {  	[tilespmem:$0x8EE0] =	vst v5  }
0xad: {  	v5 =	vld.idx.msk [tilespmem:v4+s5+$0x0], $0xffff;
	_ =	sdelay $0x4  }
0xae: {  	[tilespmem:$0x8EF0] =	vst v5  }
0xaf: {  	[tilespmem:s5], [sflag:$0x9] =	stream.linear.gather [spmem:s18], $0x400, $0x38;
	[tilespmem:$0x1F780] =	vst v63  }
0xb0: {  	_ =	swait.ge [sflag:s25], $0x400  }
0xb1: {  	[sflag:s25] =	ssyncset.done $0x0  }
0xb2: {  	[sflag:s25] =	ssyncadd.s32 $0xFFFFFC00  }
0xb3: {  	v5 =	vld.idx.msk [tilespmem:v0+s5+$0x0], $0xffff;
	_ =	sdelay $0x4  }
0xb4: {  	[tilespmem:$0x8F00] =	vst v5  }
0xb5: {  	v5 =	vld.idx.msk [tilespmem:v2+s5+$0x0], $0xffff;
	_ =	sdelay $0x4  }
0xb6: {  	[tilespmem:$0x8F10] =	vst v5  }
0xb7: {  	v5 =	vld.idx.msk [tilespmem:v3+s5+$0x0], $0xffff;
	_ =	sdelay $0x4  }
0xb8: {  	[tilespmem:$0x8F20] =	vst v5  }
0xb9: {  	v5 =	vld.idx.msk [tilespmem:v4+s5+$0x0], $0xffff;
	_ =	sdelay $0x4  }
0xba: {  	[tilespmem:$0x8F30] =	vst v5  }
0xbb: {  	[tilespmem:s5], [sflag:$0x9] =	stream.linear.gather [spmem:s20], $0x400, $0x38;
	[tilespmem:$0x1F780] =	vst v63  }
0xbc: {  	_ =	swait.ge [sflag:s25], $0x400  }
0xbd: {  	[sflag:s25] =	ssyncset.done $0x0  }
0xbe: {  	[sflag:s25] =	ssyncadd.s32 $0xFFFFFC00  }
0xbf: {  	v5 =	vld.idx.msk [tilespmem:v0+s5+$0x0], $0xffff;
	_ =	sdelay $0x4  }
0xc0: {  	[tilespmem:$0x8F40] =	vst v5  }
0xc1: {  	v5 =	vld.idx.msk [tilespmem:v2+s5+$0x0], $0xffff;
	_ =	sdelay $0x4  }
0xc2: {  	[tilespmem:$0x8F50] =	vst v5  }
0xc3: {  	v5 =	vld.idx.msk [tilespmem:v3+s5+$0x0], $0xffff;
	_ =	sdelay $0x4  }
0xc4: {  	[tilespmem:$0x8F60] =	vst v5  }
0xc5: {  	v5 =	vld.idx.msk [tilespmem:v4+s5+$0x0], $0xffff;
	_ =	sdelay $0x4  }
0xc6: {  	s8 =	simm.s32 $0x8D00;
	s9 =	rddreg [dreg:$0x11];
	[tilespmem:$0x8F70] =	vst v5  }
0xc7: {  	[hbm4b:s9+s3] =	stream.linear.scatter [tilespmem:s8], [sflag:$0x9], $0x280, $0x38;
	[tilespmem:$0x1F780] =	vst v63  }
0xc8: {  	_ =	swait.ge [sflag:s25], $0x280  }
0xc9: {  	[sflag:s25] =	ssyncset.done $0x0  }
0xca: {  	[sflag:s25] =	ssyncadd.s32 $0xFFFFFD80  }
0xcb: {  	[tilespmem:s21], [sflag:$0x9] =	stream.linear.gather [spmem:s17], $0x4000, $0x38;
	[tilespmem:$0x1F780] =	vst v63  }
0xcc: {  	_ =	swait.ge [sflag:s25], $0x4000  }
0xcd: {  	[sflag:s25] =	ssyncset.done $0x0  }
0xce: {  	s14 =	rddreg [dreg:$0x7];
	[sflag:s25] =	ssyncadd.s32 $0xFFFFC000  }
0xcf: {  	[hbm4b:s14+s3] =	stream.linear.scatter [tilespmem:s21], [sflag:$0x9], $0x4000, $0x38;
	[tilespmem:$0x1F780] =	vst v63  }
0xd0: {  	_ =	swait.ge [sflag:s25], $0x4000  }
0xd1: {  	[sflag:s25] =	ssyncset.done $0x0  }
0xd2: {  	s8 =	rddreg [dreg:$0x13];
	[sflag:s25] =	ssyncadd.s32 $0xFFFFC000  }
0xd3: {  	[tilespmem:s21], [sflag:$0x9] =	stream.linear.gather [spmem:s8], $0x4000, $0x38;
	[tilespmem:$0x1F780] =	vst v63  }
0xd4: {  	_ =	swait.ge [sflag:s25], $0x4000  }
0xd5: {  	[sflag:s25] =	ssyncset.done $0x0  }
0xd6: {  	s9 =	rddreg [dreg:$0x8];
	[sflag:s25] =	ssyncadd.s32 $0xFFFFC000  }
0xd7: {  	[hbm4b:s9+s3] =	stream.linear.scatter [tilespmem:s21], [sflag:$0x9], $0x4000, $0x38;
	[tilespmem:$0x1F780] =	vst v63  }
0xd8: {  	_ =	swait.ge [sflag:s25], $0x4000  }
0xd9: {  	[sflag:s25] =	ssyncset.done $0x0  }
0xda: {  	s14 =	rddreg [dreg:$0x14];
	[sflag:s25] =	ssyncadd.s32 $0xFFFFC000  }
0xdb: {  	[tilespmem:s21], [sflag:$0x9] =	stream.linear.gather [spmem:s14], $0x4000, $0x38;
	[tilespmem:$0x1F780] =	vst v63  }
0xdc: {  	_ =	swait.ge [sflag:s25], $0x4000  }
0xdd: {  	[sflag:s25] =	ssyncset.done $0x0  }
0xde: {  	s8 =	rddreg [dreg:$0x9];
	[sflag:s25] =	ssyncadd.s32 $0xFFFFC000  }
0xdf: {  	[hbm4b:s8+s3] =	stream.linear.scatter [tilespmem:s21], [sflag:$0x9], $0x4000, $0x38;
	[tilespmem:$0x1F780] =	vst v63  }
0xe0: {  	_ =	swait.ge [sflag:s25], $0x4000  }
0xe1: {  	[sflag:s25] =	ssyncset.done $0x0  }
0xe2: {  	s9 =	rddreg [dreg:$0x15];
	[sflag:s25] =	ssyncadd.s32 $0xFFFFC000  }
0xe3: {  	[tilespmem:s21], [sflag:$0x9] =	stream.linear.gather [spmem:s9], $0x4000, $0x38;
	[tilespmem:$0x1F780] =	vst v63  }
0xe4: {  	_ =	swait.ge [sflag:s25], $0x4000  }
0xe5: {  	[sflag:s25] =	ssyncset.done $0x0  }
0xe6: {  	s14 =	rddreg [dreg:$0xa];
	[sflag:s25] =	ssyncadd.s32 $0xFFFFC000  }
0xe7: {  	[hbm4b:s14+s3] =	stream.linear.scatter [tilespmem:s21], [sflag:$0x9], $0x4000, $0x38;
	[tilespmem:$0x1F780] =	vst v63  }
0xe8: {  	_ =	swait.ge [sflag:s25], $0x4000  }
0xe9: {  	[sflag:s25] =	ssyncset.done $0x0  }
0xea: {  	s8 =	rddreg [dreg:$0x16];
	[sflag:s25] =	ssyncadd.s32 $0xFFFFC000  }
0xeb: {  	[tilespmem:s21], [sflag:$0x9] =	stream.linear.gather [spmem:s8], $0x4000, $0x38;
	[tilespmem:$0x1F780] =	vst v63  }
0xec: {  	_ =	swait.ge [sflag:s25], $0x4000  }
0xed: {  	[sflag:s25] =	ssyncset.done $0x0  }
0xee: {  	s9 =	rddreg [dreg:$0xb];
	[sflag:s25] =	ssyncadd.s32 $0xFFFFC000  }
0xef: {  	[hbm4b:s9+s3] =	stream.linear.scatter [tilespmem:s21], [sflag:$0x9], $0x4000, $0x38;
	[tilespmem:$0x1F780] =	vst v63  }
0xf0: {  	_ =	swait.ge [sflag:s25], $0x4000  }
0xf1: {  	s6 =	sadd.s32 $0x1, s6;
	s14 =	rddreg [dreg:$0x12]  }
0xf2: {  	p0 =	sne.s32 s6, s14  }
.Ltmp1:
0xf3: {  	_ = 	snop;
	(pc) =	sbr.rel @!p0 .LBB2_7-.Ltmp1, $3  }
0xf4: {  	_ =	sdelay $0x1  }
0xf5: {  	[sflag:s25] =	ssyncset.done $0x0  }
0xf6: {  	[sflag:s25] =	ssyncadd.s32 $0xFFFFC000  }
.LBB2_1:
0xf7: {  	s7 =	rddreg [dreg:$0xc]  }
0xf8: {  	[tilespmem:s21], [sflag:$0x1] =	stream.linear.gather [hbm4b:s7+s3], $0x4000, $0x38;
	[tilespmem:$0x1F780] =	vst v63  }
0xf9: {  	s8 =	rddreg [dreg:$0xf]  }
0xfa: {  	[tilespmem:s3], [sflag:$0x3] =	stream.linear.gather [hbm4b:s8+s3], $0x80, $0x38;
	[tilespmem:$0x1F780] =	vst v63  }
0xfb: {  	s9 =	rddreg [dreg:$0x18]  }
0xfc: {  	[tilespmem:s23], [sflag:$0x2] =	stream.linear.gather [hbm4b:s9+s3], $0x4000, $0x38;
	[tilespmem:$0x1F780] =	vst v63  }
0xfd: {  	s14 =	rddreg [dreg:$0x19];
	s7 =	simm.s32 $0x40;
	s8 =	simm.s32 $0x0  }
0xfe: {  	[tilespmem:s24], [sflag:$0x4] =	stream.linear.gather [hbm4b:s14+s3], $0x80, $0x38;
	[tilespmem:$0x1F780] =	vst v63  }
.LBB2_2:
0xff: {  	p0 =	sne.s32 s7, $0x1FC0;
	[tilespmem:s8+$0x8100] =	vst v1;
	s8 =	smov.u32 s7;
	s7 =	sadd.s32 $0x40, s7  }
.Ltmp2:
0x100: {  	(pc) =	sbr.rel @p0 .LBB2_2-.Ltmp2, $2  }
0x101: {  	_ =	sdelay $0x2  }
0x102: {  	s8 =	sshra.s32 s8, $0x2  }
0x103: {  	[tilespmem:s8+$0x8100] =	vst v1;
	s7 =	sshrl.u32 s17, $0x3;
	s14 =	rddreg [dreg:$0x10]  }
0x104: {  	[spmem:s7], [sflag:s19] =	dma.local [hbm:s14], $0x2800  }
0x105: {  	_ =	swait.ge [sflag:s25], $0x2800  }
0x106: {  	[sflag:s25] =	ssyncset.done $0x0;
	s9 =	rddreg [dreg:$0x6]  }
0x107: {  	s14 =	rddreg [dreg:$0x17];
	[sflag:s25] =	ssyncadd.s32 $0xFFFFD800  }
0x108: {  	[spmem:s14], [sflag:s19] =	dma.local [hbm:s9], $0x500  }
0x109: {  	_ =	swait.ge [sflag:s25], $0x500  }
0x10a: {  	[sflag:s25] =	ssyncset.done $0x0  }
0x10b: {  	[sflag:s25] =	ssyncadd.s32 $0xFFFFFB00  }
0x10c: {  	[bflag:$0x0] =	sbarrier.arrive $0xFFFF  }
0x10d: {  	_ =	swait.ge [sflag:s26], $0x4000  }
0x10e: {  	[sflag:s26] =	ssyncset.done $0x0  }
0x10f: {  	[sflag:s26] =	ssyncadd.s32 $0xFFFFC000  }
0x110: {  	_ =	swait.ge [sflag:s10], $0x80  }
0x111: {  	[sflag:s10] =	ssyncset.done $0x0  }
0x112: {  	s7 =	simm.s32 $0x0;
	[sflag:s10] =	ssyncadd.s32 $0xFFFFFF80  }
0x113: {  	[spmem:s1] =	stream.indirect.scatter.add.f32 [tilespmem:s21], [sflag:$0x5], $0x80, s7, s24, $0xb8;
	[tilespmem:$0x1F780] =	vst v63  }
0x114: {  	_ = 	snop  }
0x115: {  	[spmem:s2] =	stream.indirect.scatter.add.f32 [tilespmem:s28], [sflag:$0x7], $0x10, s7, s24, $0xb8;
	[tilespmem:$0x1F780] =	vst v63  }
0x116: {  	_ =	swait.ge [sflag:s29], $0x4000  }
0x117: {  	[sflag:s29] =	ssyncset.done $0x0  }
0x118: {  	[sflag:s29] =	ssyncadd.s32 $0xFFFFC000  }
0x119: {  	_ =	swait.ge [sflag:s30], $0x80  }
0x11a: {  	[sflag:s30] =	ssyncset.done $0x0  }
0x11b: {  	[sflag:s30] =	ssyncadd.s32 $0xFFFFFF80  }
0x11c: {  	[spmem:s1] =	stream.indirect.scatter.add.f32 [tilespmem:s23], [sflag:$0x6], $0x80, s24, s24, $0xb8;
	[tilespmem:$0x1F780] =	vst v63  }
0x11d: {  	_ = 	snop  }
0x11e: {  	[spmem:s2] =	stream.indirect.scatter.add.f32 [tilespmem:s28], [sflag:$0x8], $0x10, s24, s24, $0xb8;
	[tilespmem:$0x1F780] =	vst v63  }
0x11f: {  	_ =	swait.ge [sflag:s31], $0x4000  }
0x120: {  	[sflag:s31] =	ssyncset.done $0x0  }
0x121: {  	[sflag:s31] =	ssyncadd.s32 $0xFFFFC000  }
0x122: {  	_ =	swait.ge [sflag:s13], $0x800  }
0x123: {  	[sflag:s13] =	ssyncset.done $0x0;
	s9 =	rddreg [dreg:$0x1c]  }
0x124: {  	s14 =	rddreg [dreg:$0x1d];
	[sflag:s13] =	ssyncadd.s32 $0xFFFFF800  }
0x125: {  	[tilespmem:s21], [sflag:$0x1] =	stream.linear.gather [hbm4b:s9+s7], $0x4000, $0x38;
	[tilespmem:$0x1F780] =	vst v63  }
0x126: {  	s8 =	rddreg [dreg:$0xd]  }
0x127: {  	[tilespmem:s7], [sflag:$0x3] =	stream.linear.gather [hbm4b:s14+s7], $0x80, $0x38;
	[tilespmem:$0x1F780] =	vst v63  }
0x128: {  	s14 =	rddreg [dreg:$0xe]  }
.LBB2_4:
0x129: {  	_ =	swait.ge [sflag:s26], $0x4000  }
0x12a: {  	[sflag:s26] =	ssyncset.done $0x0  }
0x12b: {  	[sflag:s26] =	ssyncadd.s32 $0xFFFFC000  }
0x12c: {  	_ =	swait.ge [sflag:s10], $0x80  }
0x12d: {  	[sflag:s10] =	ssyncset.done $0x0  }
0x12e: {  	[sflag:s10] =	ssyncadd.s32 $0xFFFFFF80  }
0x12f: {  	[spmem:s1] =	stream.indirect.scatter.add.f32 [tilespmem:s21], [sflag:$0x5], $0x80, s3, s24, $0xb8;
	[tilespmem:$0x1F780] =	vst v63  }
0x130: {  	_ = 	snop  }
0x131: {  	[spmem:s2] =	stream.indirect.scatter.add.f32 [tilespmem:s28], [sflag:$0x7], $0x10, s3, s24, $0xb8;
	[tilespmem:$0x1F780] =	vst v63  }
0x132: {  	_ =	swait.ge [sflag:s0], $0x4000  }
0x133: {  	[sflag:s0] =	ssyncset.done $0x0  }
0x134: {  	[sflag:s0] =	ssyncadd.s32 $0xFFFFC000  }
0x135: {  	_ =	swait.ge [sflag:s4], $0x800  }
0x136: {  	[sflag:s4] =	ssyncset.done $0x0  }
0x137: {  	[sflag:s4] =	ssyncadd.s32 $0xFFFFF800  }
0x138: {  	[tilespmem:s23], [sflag:$0x2] =	stream.linear.gather [hbm4b:s14+s3], $0x4000, $0x38;
	[tilespmem:$0x1F780] =	vst v63  }
0x139: {  	s9 =	sadd.s32 s7, s16  }
0x13a: {  	[tilespmem:s24], [sflag:$0x4] =	stream.linear.gather [hbm4b:s9+s3], $0x80, $0x38;
	[tilespmem:$0x1F780] =	vst v63  }
0x13b: {  	_ =	swait.ge [sflag:s29], $0x4000  }
0x13c: {  	[sflag:s29] =	ssyncset.done $0x0  }
0x13d: {  	[sflag:s29] =	ssyncadd.s32 $0xFFFFC000  }
0x13e: {  	_ =	swait.ge [sflag:s30], $0x80  }
0x13f: {  	[sflag:s30] =	ssyncset.done $0x0  }
0x140: {  	[sflag:s30] =	ssyncadd.s32 $0xFFFFFF80  }
0x141: {  	[spmem:s1] =	stream.indirect.scatter.add.f32 [tilespmem:s23], [sflag:$0x6], $0x80, s24, s24, $0xb8;
	[tilespmem:$0x1F780] =	vst v63  }
0x142: {  	_ = 	snop  }
0x143: {  	[spmem:s2] =	stream.indirect.scatter.add.f32 [tilespmem:s28], [sflag:$0x8], $0x10, s24, s24, $0xb8;
	[tilespmem:$0x1F780] =	vst v63  }
0x144: {  	p0 =	seq.s32 s7, $0x4A0;
	_ =	swait.ge [sflag:s31], $0x4000  }
.Ltmp3:
0x145: {  	[sflag:s31] =	ssyncset.done $0x0;
	(pc) =	sbr.rel @p0 .LBB2_6-.Ltmp3, $4  }
0x146: {  	[sflag:s31] =	ssyncadd.s32 $0xFFFFC000  }
0x147: {  	_ =	swait.ge [sflag:s13], $0x800  }
0x148: {  	[sflag:s13] =	ssyncset.done $0x0  }
0x149: {  	[sflag:s13] =	ssyncadd.s32 $0xFFFFF800  }
.Ltmp4:
0x14a: {  	(pc) =	sbr.rel .LBB2_4-.Ltmp4, $4  }
0x14b: {  	[tilespmem:s21], [sflag:$0x1] =	stream.linear.gather [hbm4b:s8+s3], $0x4000, $0x38;
	[tilespmem:$0x1F780] =	vst v63  }
0x14c: {  	s9 =	sadd.s32 s7, s15  }
0x14d: {  	s7 =	sadd.s32 $0x20, s7;
	s8 =	sadd.s32 $0x1000, s8;
	s14 =	sadd.s32 $0x1000, s14  }
0x14e: {  	[tilespmem:s3], [sflag:$0x3] =	stream.linear.gather [hbm4b:s9+s3], $0x80, $0x38;
	[tilespmem:$0x1F780] =	vst v63  }
.LBB2_7:
0x14f: {  	_ =	sfence.sel $0x180000  }
0x150: {  	[bflag:$0x0] =	sbarrier.arrive $0xFFFF  }
0x151: {  	_ =	strace $0x90000047  }
0x152: {  	s0 =	stileid.u32;
	[bflag:$0x2] =	sbarrier.arrive $0xFFFF  }
0x153: {  	p0 =	sne.s32 s0, $0x0;
	s0 =	rddreg [dreg:$0x5]  }
0x154: {  	s0 =	sadd.s32 @!p0 $0x100000, s0  }
0x155: {  	[sflag:s0] =	ssyncadd.tile.s32 @!p0 $0x1;
	_ =	shalt  }
.Lfunc_end2:
_tile_overlayer_lowered:
.L_overlay_start_2:
0x156: {  	(tag) =	ssettag $0x2  }
0x157: {  	s0 =	rddreg [dreg:$0x0];
	s2 =	stileid.u32  }
0x158: {  	s1 =	rddreg [dreg:$0x1];
	p0 =	sne.s32 s2, $0x0  }
0x159: {  	s3 =	rddreg [dreg:$0x2];
	[bflag:$0x3] =	sbarrier.arrive $0xFFFF;
	s2 =	simm.s32 @!p0 $0x1C09  }
0x15a: {  	[timem:s3], [sflag:s2] =	dma.local @!p0 [hbm:s0], s1  }
0x15b: {  	s0 =	simm.s32 @!p0 $0x9  }
0x15c: {  	_ =	swait.ge @!p0 [sflag:s0], s1  }
0x15d: {  	s1 =	ssub.s32 @!p0 $0x0, s1;
	[sflag:s0] =	ssyncset.done @!p0 $0x0  }
0x15e: {  	[sflag:s0] =	ssyncadd.s32 @!p0 s1  }
0x15f: {  	[bflag:$0x3] =	sbarrier.arrive $0xFFFF  }
0x160: {  	_ =	shalt  }

// kernel: kernel.9.cloned.1.call-start
scs
__scs_entry_jumppad:
0x0: {  	(pc) =	sbr.rel $0x88, $3  }
0x1: {  	(tag) =	ssettag $0x0;
	lr =	simm.s32 $0x1  }
0x2: {  	[smem:$0x3F97] =	sst lr;
	_ =	strace $0xD0000000  }
0x3: {  	_ = 	snop  }
0x4: {  	_ = 	snop  }
0x5: {  	_ = 	snop  }
0x6: {  	_ = 	snop  }
0x7: {  	_ = 	snop  }
__scs_overlays_trampoline_lowered:
0x8: {  	[smem:$0x3FA6] =	sst s0  }
0x9: {  	[smem:$0x3FA7] =	sst s1  }
0xa: {  	[smem:$0x3FA8] =	sst s2  }
0xb: {  	[smem:$0x3FA9] =	sst s3  }
0xc: {  	[smem:$0x3FAA] =	sst s4  }
0xd: {  	[smem:$0x3FAB] =	sst s5  }
0xe: {  	[smem:$0x3FAC] =	sst s6  }
0xf: {  	[smem:$0x3FAD] =	sst s7  }
0x10: {  	[smem:$0x3FAE] =	sst s8  }
0x11: {  	[smem:$0x3FAF] =	sst s9;
	s0 =	simm.s32 @!p0 $0x0  }
0x12: {  	s1 =	sld [smem:$0x3F95];
	s0 =	simm.s32 @p0 $0x1  }
0x13: {  	[smem:$0x3FB0] =	sst s0;
	s0 =	simm.s32 @!p1 $0x0  }
0x14: {  	s2 =	sld [smem:$0x3F94];
	s0 =	simm.s32 @p1 $0x1  }
0x15: {  	[smem:$0x3FB1] =	sst s0;
	s0 =	simm.s32 @!p2 $0x0  }
0x16: {  	s3 =	sld [smem:$0x3FDB];
	s0 =	simm.s32 @p2 $0x1  }
0x17: {  	s4 =	simm.s32 $0x1BF5;
	[smem:$0x3FB3] =	sst s0  }
0x18: {  	s0 =	sld [smem:$0x3F96];
	_ =	swait.ge [sflag:s4], $0x0  }
0x19: {  	s7 =	sld [smem:$0x3F97]  }
0x1a: {  	s8 =	sadd.s32 $0xFFFFE003, lr  }
0x1b: {  	s9 =	sadd.s32 $0xFFFFFEF7, lr;
	s5 =	simm.s32 $0xFFFFFFFF;
	p2 =	slt.u32 s8, $0xFFFFF086  }
0x1c: {  	p1 =	slt.u32 s9, $0xF7A;
	s5 =	simm.s32 @!p2 $0x0  }
0x1d: {  	s5 =	simm.s32 @p1 $0x1;
	p0 =	seq.s32 s7, s2  }
0x1e: {  	s7 =	smul.u32 @!p0 $0xF7A, s2;
	p2 =	seq.s32 @!p0 s5, $0x0  }
0x1f: {  	s9 =	smul.u32 $0xF7A, s1;
	s8 =	simm.s32 @!p0 $0x1BF5;
	p2 =	por !p2, p0  }
0x20: {  	[sflag:s8] =	ssyncset.s32 @!p0 $0xFFFFF086;
	s6 =	sadd.s32 @!p0 s3, s7;
	s7 =	simm.s32 @!p0 $0x108  }
0x21: {  	s3 =	sadd.s32 s3, s9;
	s6 =	sadd.s32 @!p0 $0x88, s6;
	s7 =	simm.s32 @p2 $0x1082  }
0x22: {  	[simem:s7], [sflag:s8] =	dma.local @!p0 [hbm:s6], $0xF7A  }
0x23: {  	s9 =	sor.u32 $0xD0000000, s2;
	s6 =	simm.s32 $0x108;
	_ =	swait.ge @!p0 [sflag:s8], $0x0  }
0x24: {  	s3 =	sadd.s32 $0x88, s3;
	s6 =	simm.s32 @!p1 $0x1082;
	[sflag:s4] =	ssyncset.s32 $0xFFFFF086  }
0x25: {  	[simem:s6], [sflag:s4] =	dma.local [hbm:s3], $0xF7A  }
0x26: {  	[smem:$0x3F97] =	sst s1;
	(tag) =	ssettag s2;
	_ =	strace s9  }
0x27: {  	s1 =	sld [smem:$0x3FA7]  }
0x28: {  	s2 =	sld [smem:$0x3FA8]  }
0x29: {  	s4 =	sld [smem:$0x3FAA]  }
0x2a: {  	p0 =	seq.s32 s5, $0x0;
	s5 =	sld [smem:$0x3FAB]  }
0x2b: {  	s6 =	sld [smem:$0x3FAC]  }
0x2c: {  	s7 =	sld [smem:$0x3FAD]  }
0x2d: {  	s3 =	simm.s32 $0x108;
	s8 =	sld [smem:$0x3FAE]  }
0x2e: {  	s3 =	simm.s32 @!p0 $0x1082;
	s9 =	sld [smem:$0x3FAF]  }
0x2f: {  	lr =	sadd.s32 s0, s3;
	s0 =	sld [smem:$0x3FA6]  }
0x30: {  	s3 =	sld [smem:$0x3FA9]  }
0x31: {  	[smem:$0x3FB2] =	sst s10  }
0x32: {  	s10 =	sld [smem:$0x3FB0];
	_ =	sdelay $0x3  }
0x33: {  	p0 =	seq.s32 s10, $0x1;
	s10 =	sld [smem:$0x3FB2];
	_ =	sdelay $0x3  }
0x34: {  	[smem:$0x3FB2] =	sst s10  }
0x35: {  	s10 =	sld [smem:$0x3FB1];
	_ =	sdelay $0x3  }
0x36: {  	p1 =	seq.s32 s10, $0x1;
	s10 =	sld [smem:$0x3FB2];
	_ =	sdelay $0x3  }
0x37: {  	[smem:$0x3FB2] =	sst s10  }
0x38: {  	s10 =	sld [smem:$0x3FB3]  }
0x39: {  	_ = 	snop;
	(pc) =	sbr.ind lr, $3  }
0x3a: {  	_ = 	snop  }
0x3b: {  	_ = 	snop  }
0x3c: {  	p2 =	seq.s32 s10, $0x1;
	s10 =	sld [smem:$0x3FB2]  }
0x3d: {  	_ =	shalt  }
0x3e: {  	_ =	shalt  }
0x3f: {  	_ =	shalt  }
0x40: {  	_ =	shalt  }
0x41: {  	_ =	shalt  }
0x42: {  	_ =	shalt  }
0x43: {  	_ =	shalt  }
0x44: {  	_ =	shalt  }
0x45: {  	_ =	shalt  }
0x46: {  	_ =	shalt  }
0x47: {  	_ =	shalt  }
0x48: {  	_ =	shalt  }
0x49: {  	_ =	shalt  }
0x4a: {  	_ =	shalt  }
0x4b: {  	_ =	shalt  }
0x4c: {  	_ =	shalt  }
0x4d: {  	_ =	shalt  }
0x4e: {  	_ =	shalt  }
0x4f: {  	_ =	shalt  }
0x50: {  	_ =	shalt  }
0x51: {  	_ =	shalt  }
0x52: {  	_ =	shalt  }
0x53: {  	_ =	shalt  }
0x54: {  	_ =	shalt  }
0x55: {  	_ =	shalt  }
0x56: {  	_ =	shalt  }
0x57: {  	_ =	shalt  }
0x58: {  	_ =	shalt  }
0x59: {  	_ =	shalt  }
0x5a: {  	_ =	shalt  }
0x5b: {  	_ =	shalt  }
0x5c: {  	_ =	shalt  }
0x5d: {  	_ =	shalt  }
0x5e: {  	_ =	shalt  }
0x5f: {  	_ =	shalt  }
0x60: {  	_ =	shalt  }
0x61: {  	_ =	shalt  }
0x62: {  	_ =	shalt  }
0x63: {  	_ =	shalt  }
0x64: {  	_ =	shalt  }
0x65: {  	_ =	shalt  }
0x66: {  	_ =	shalt  }
0x67: {  	_ =	shalt  }
0x68: {  	_ =	shalt  }
0x69: {  	_ =	shalt  }
0x6a: {  	_ =	shalt  }
0x6b: {  	_ =	shalt  }
0x6c: {  	_ =	shalt  }
0x6d: {  	_ =	shalt  }
0x6e: {  	_ =	shalt  }
0x6f: {  	_ =	shalt  }
0x70: {  	_ =	shalt  }
0x71: {  	_ =	shalt  }
0x72: {  	_ =	shalt  }
0x73: {  	_ =	shalt  }
0x74: {  	_ =	shalt  }
0x75: {  	_ =	shalt  }
0x76: {  	_ =	shalt  }
0x77: {  	_ =	shalt  }
0x78: {  	_ =	shalt  }
0x79: {  	_ =	shalt  }
0x7a: {  	_ =	shalt  }
0x7b: {  	_ =	shalt  }
0x7c: {  	_ =	shalt  }
0x7d: {  	_ =	shalt  }
0x7e: {  	_ =	shalt  }
0x7f: {  	_ =	shalt  }
0x80: {  	_ =	shalt  }
0x81: {  	_ =	shalt  }
0x82: {  	_ =	shalt  }
0x83: {  	_ =	shalt  }
0x84: {  	_ =	shalt  }
0x85: {  	_ =	shalt  }
0x86: {  	_ =	shalt  }
0x87: {  	_ =	shalt  }
.Lfunc_end0:
.L_simem_size_0:
called_computation.1_lowered:
.L_overlay_start_0:
0x88: {  	s2 =	sld [smem:$0x3FD9]  }
0x89: {  	s3 =	sld [smem:$0x3FFE];
	_ =	sdelay $0x1  }
0x8a: {  	s1 =	srdreg.scid  }
0x8b: {  	s0 =	sand.u32 $0x1, s1  }
0x8c: {  	s14 =	sshll.u32 s0, $0xA;
	s2 =	sadd.s32 s3, s2  }
0x8d: {  	s2 =	sadd.s32 s2, s14  }
0x8e: {  	[smem:$0x3FBE] =	sst s2  }
0x8f: {  	_ = 	snop  }
0x90: {  	s2 =	sld [smem:$0x3FD0];
	_ =	sdelay $0x2  }
0x91: {  	s15 =	simm.s32 $0xA;
	s4 =	simm.s32 $0x10  }
0x92: {  	[smem:s4], [sflag:s15] =	dma.local [hbm:s2], $0x1  }
0x93: {  	_ =	swait.eq [sflag:s15], $0x1  }
0x94: {  	s16 =	sld [smem:$0x10];
	[sflag:s15] =	ssyncset.done $0x0  }
0x95: {  	s17 =	sld [smem:$0x11];
	[sflag:s15] =	ssyncadd.s32 $0xFFFFFFFF  }
0x96: {  	s18 =	sld [smem:$0x12];
	(tm) =	ssettm $0x1  }
0x97: {  	s5 =	sld [smem:$0x3FFB];
	_ =	sdelay $0x3  }
0x98: {  	_ =	strace s5  }
0x99: {  	s5 =	sld [smem:$0x3FFC];
	_ =	sdelay $0x3  }
0x9a: {  	_ =	strace s5  }
0x9b: {  	s5 =	sld [smem:$0x3FFD];
	_ =	sdelay $0x3  }
0x9c: {  	_ =	strace s5  }
0x9d: {  	_ =	strace $0x8FFFFFFF  }
0x9e: {  	s19 =	sld [smem:$0x3FDB];
	_ =	sdelay $0x1  }
0x9f: {  	s6 =	simm.s32 $_scs_section_size  }
0xa0: {  	s7 =	simm.s32 $_size__tile_overlayer_lowered;
	s8 =	simm.s32 $_tile_overlayer_lowered  }
0xa1: {  	s22 =	simm.s32 $0x1BFF;
	s21 =	sshll.u32 s8, $0x1;
	s5 =	sadd.s32 s6, s19  }
0xa2: {  	s9 =	simm.s32 $0x0;
	s20 =	sshll.u32 s7, $0x1;
	s7 =	sadd.s32 s21, s5  }
0xa3: {  	[timem:s9], [sflag:s22] =	dma.local [hbm:s7], s20  }
0xa4: {  	_ =	swait.ge [sflag:s22], s20  }
0xa5: {  	s6 =	ssub.s32 $0x0, s20;
	[sflag:s22] =	ssyncset.done $0x0  }
0xa6: {  	[sflag:s22] =	ssyncadd.s32 s6;
	_ =	sdelay $0x1  }
0xa7: {  	s23 =	simm.s32 $0x1B8B  }
0xa8: {  	_ =	swait.ge [sflag:s23], $0x1  }
0xa9: {  	[sflag:s23] =	ssyncset.done $0x0  }
0xaa: {  	s25 =	simm.s32 $0x1B8E;
	s24 =	sld [smem:$0x3FFE];
	[sflag:s23] =	ssyncadd.s32 $0xFFFFFFFF  }
0xab: {  	s26 =	simm.s32 $execute0_lowered;
	[smem:$0x3FD2] =	sst s25  }
0xac: {  	s7 =	sshll.u32 s26, $0x1;
	_ =	strace $0x80000049;
	[dreg:$0x1] =	wrdreg $0xFFFFFFFF  }
0xad: {  	s28 =	simm.s32 $_size_execute0_lowered;
	s5 =	sadd.s32 s5, s7;
	[dreg:$0x0] =	wrdreg $0x0  }
0xae: {  	s7 =	sshll.u32 s28, $0x1;
	[dreg:$0x2] =	wrdreg s5  }
0xaf: {  	[dreg:$0x3] =	wrdreg s7  }
0xb0: {  	[dreg:$0x4] =	wrdreg $0xC0  }
0xb1: {  	_ =	task [dreg:s9], $0x5FFFF  }
0xb2: {  	[dreg:$0x1] =	wrdreg $0xFFFFFFFF  }
0xb3: {  	[dreg:$0x0] =	wrdreg $0x60  }
0xb4: {  	[dreg:$0x2] =	wrdreg s18  }
0xb5: {  	[dreg:$0x3] =	wrdreg s24  }
0xb6: {  	[dreg:$0x4] =	wrdreg s16  }
0xb7: {  	[dreg:$0x5] =	wrdreg s17  }
0xb8: {  	[dreg:$0x6] =	wrdreg $0x9  }
0xb9: {  	_ =	task.clear_ibuf [dreg:s9], $0x7FFFF;
	_ =	strace $0x90000049  }
0xba: {  	s29 =	simm.s32 $0x9;
	_ =	strace $0x8000004B  }
0xbb: {  	_ =	swait.ge [sflag:s29], $0x1  }
0xbc: {  	[sflag:s29] =	ssyncadd.s32 $0xFFFFFFFF  }
0xbd: {  	_ =	strace $0x9000004B  }
0xbe: {  	_ =	sfence  }
0xbf: {  	s30 =	sld [smem:$0x0];
	_ =	sdelay $0x2  }
0xc0: {  	s31 =	sshll.u32 s1, $0xD;
	s1 =	sshrl.u32 s1, $0x2  }
0xc1: {  	s3 =	sand.u32 $0x4000, s31;
	s1 =	sadd.s32 s1, s30  }
0xc2: {  	s0 =	sor.u32 s3, s0;
	s1 =	sshll.u32 s1, $0x11  }
0xc3: {  	s0 =	sor.u32 s1, s0  }
0xc4: {  	s0 =	sadd.s32 $0x8F2B, s0  }
0xc5: {  	[sflag:s0] =	ssyncadd.remote.s32 $0x1  }
0xc6: {  	_ =	sfence.sel $0xFFFF  }
0xc7: {  	[dreg:$0x0] =	wrdreg $0xFFFFFFFF;
	(pc) =	sbr.abs _section_cstart, $3  }
0xc8: {  	[dreg:$0x1] =	wrdreg $0xFFFFFFFF  }
0xc9: {  	_ =	task.clear_ibuf [dreg:s9], $0x2FFFF;
	_ =	strace $0x9FFFFFFF  }
0xca: {  	(tm) =	ssettm $0x7FFFFFFF  }
0xcb: {  	_ =	shalt  }
tec
execute0_lowered:
.L_overlay_start_1:
0x0: {  	(tag) =	ssettag $0x1  }
0x1: {  	s1 =	srdreg.scid  }
0x2: {  	s6 =	sand.u32 $0x1, s1;
	s1 =	stileid.u32  }
0x3: {  	s7 =	sor.u32 s1, s6  }
0x4: {  	p0 =	sne.s32 s7, $0x0  }
.Ltmp0:
0x5: {  	s0 =	rddreg [dreg:$0x0];
	(pc) =	sbr.rel @p0 .LBB2_9-.Ltmp0, $4  }
0x6: {  	s2 =	rddreg [dreg:$0x1]  }
0x7: {  	s4 =	rddreg [dreg:$0x2]  }
0x8: {  	s5 =	rddreg [dreg:$0x3]  }
0x9: {  	s3 =	rddreg [dreg:$0x4];
	_ =	strace $0x8000004A  }
0xa: {  	s8 =	ssub.s32 $0x2, s6  }
0xb: {  	s6 =	sadd.s32 $0x600, s2;
	s7 =	sadd.s32 $0xC00, s2;
	s10 =	simm.s32 $0x1  }
0xc: {  	s11 =	simm.s32 $0x2800;
	s12 =	simm.s32 $0x5000;
	s13 =	simm.s32 $0x7800  }
0xd: {  	s14 =	simm.s32 $0xA000;
	s15 =	simm.s32 $0xC800;
	s9 =	sshrl.u32 s8, $0x1  }
0xe: {  	v0 =	vimm.s32 $0x2710;
	v1 =	vimm.s32 $0x0;
	v2 =	vlaneseq.u32;
	s16 =	simm.s32 $0x0;
	s8 =	ssub.s32 s8, s9;
	s9 =	simm.s32 $0x0  }
.LBB2_2:
0xf: {  	[tilespmem:s9], [sflag:$0x1] =	stream.linear.gather [hbm4b:s0+s9], $0x2800, $0x38;
	[tilespmem:$0xF000] =	vst v63  }
0x10: {  	_ =	swait.ge [sflag:s10], $0x2800  }
0x11: {  	[sflag:s10] =	ssyncset.done $0x0  }
0x12: {  	[sflag:s10] =	ssyncadd.s32 $0xFFFFD800  }
0x13: {  	[tilespmem:s11], [sflag:$0x1] =	stream.linear.gather [hbm4b:s2+s9], $0x2800, $0x38;
	[tilespmem:$0xF000] =	vst v63  }
0x14: {  	_ =	swait.ge [sflag:s10], $0x2800  }
0x15: {  	[sflag:s10] =	ssyncset.done $0x0  }
0x16: {  	[sflag:s10] =	ssyncadd.s32 $0xFFFFD800  }
0x17: {  	[tilespmem:s12], [sflag:$0x1] =	stream.linear.gather [hbm4b:s6+s9], $0x2800, $0x38;
	[tilespmem:$0xF000] =	vst v63  }
0x18: {  	_ =	swait.ge [sflag:s10], $0x2800  }
0x19: {  	[sflag:s10] =	ssyncset.done $0x0  }
0x1a: {  	s17 =	simm.s32 $0x40;
	s18 =	simm.s32 $0x0;
	[sflag:s10] =	ssyncadd.s32 $0xFFFFD800  }
.LBB2_3:
0x1b: {  	p0 =	sne.s32 s17, $0x9FC0;
	[tilespmem:s18+$0x7800] =	vst v0;
	s18 =	smov.u32 s17;
	s17 =	sadd.s32 $0x40, s17  }
.Ltmp1:
0x1c: {  	(pc) =	sbr.rel @p0 .LBB2_3-.Ltmp1, $2  }
0x1d: {  	_ =	sdelay $0x2  }
0x1e: {  	s18 =	sshra.s32 s18, $0x2  }
0x1f: {  	[tilespmem:s18+$0x7800] =	vst v0;
	s17 =	simm.s32 $0x0  }
0x20: {  	v3 =	vld [tilespmem:s17+$0x0];
	_ =	sdelay $0x4  }
0x21: {  	vm0 =	vgt.f32 v3, $0.0e+00  }
0x22: {  	v3 =	vsel vm0, $0x1, v1  }
0x23: {  	(xrf0) =	vadd.scan.msk.s32 $0xffff, v3;
	_ =	sdelay $0x5  }
0x24: {  	s31 =	simm.s32 $0xFFFFFFFF;
	v3, _, _ =	vpop (xrf0)  }
0x25: {  	v4 =	vadd.s32 s31, v3;
	(v2sf) =	vpush v3, $0xF;
	_ =	sdelay $0x3  }
0x26: {  	v5 =	vor.u32 s17, v2  }
0x27: {  	s18 =	simm.s32 $0x10;
	[tilespmem:v4+s13+$0x0] =	vst.idx.msk vm0, v5  }
0x28: {  	s19 =	simm.s32 $0x20;
	s20 =	simm.s32 $0x10;
	v3 =	vld [tilespmem:s18+$0x0]  }
.LBB2_5:
0x29: {  	p0 =	sne.s32 s19, $0x2700;
	_ =	sdelay $0x3  }
0x2a: {  	vm0 =	vgt.f32 v3, $0.0e+00  }
0x2b: {  	v3 =	vsel vm0, $0x1, v1  }
0x2c: {  	(xrf0) =	vadd.scan.msk.s32 $0xffff, v3;
	_ =	sdelay $0x1  }
0x2d: {  	s21 =	spop (v2sf)  }
0x2e: {  	s17 =	sadd.s32 s17, s21  }
0x2f: {  	s21 =	sadd.s32 $0xFFFFFFFF, s17;
	_ =	sdelay $0x1  }
0x30: {  	v3, _, _ =	vpop (xrf0)  }
0x31: {  	v4 =	vadd.s32 s21, v3;
	(v2sf) =	vpush v3, $0xF;
	_ =	sdelay $0x1  }
.Ltmp2:
0x32: {  	(pc) =	sbr.rel @p0 .LBB2_5-.Ltmp2, $4  }
0x33: {  	_ = 	snop  }
0x34: {  	v3 =	vor.u32 s18, v2;
	s18 =	smov.u32 s19  }
0x35: {  	s20 =	sadd.s32 $0x10, s20;
	[tilespmem:v4+s13+$0x0] =	vst.idx.msk vm0, v3  }
0x36: {  	s19 =	sadd.s32 $0x10, s19;
	v3 =	vld [tilespmem:s20+$0x0]  }
0x37: {  	_ =	sdelay $0x3  }
0x38: {  	vm0 =	vgt.f32 v3, $0.0e+00  }
0x39: {  	v3 =	vsel vm0, $0x1, v1  }
0x3a: {  	(xrf0) =	vadd.scan.msk.s32 $0xffff, v3;
	_ =	sdelay $0x3  }
0x3b: {  	s19 =	spop (v2sf)  }
0x3c: {  	s17 =	sadd.s32 s17, s19  }
0x3d: {  	s17 =	sadd.s32 $0xFFFFFFFF, s17;
	v3, _, _ =	vpop (xrf0)  }
0x3e: {  	(v2sf) =	vpush v3, $0xF;
	v3 =	vadd.s32 s17, v3;
	_ =	sdelay $0x3  }
0x3f: {  	v4 =	vor.u32 s18, v2  }
0x40: {  	s17 =	simm.s32 $0x0;
	[tilespmem:v3+s13+$0x0] =	vst.idx.msk vm0, v4  }
0x41: {  	v3 =	vld [tilespmem:s17+$0x7800];
	_ =	sdelay $0x7  }
0x42: {  	v4 =	vld.idx.msk [tilespmem:v3+s11+$0x0], $0xffff;
	_ =	sdelay $0x3  }
0x43: {  	s18 =	simm.s32 $0x10;
	s19 =	simm.s32 $0x80;
	s31 =	spop (v2sf)  }
.LBB2_7:
0x44: {  	p0 =	sne.s32 s19, $0x9C00;
	v5 =	vld [tilespmem:s18+$0x7800];
	[tilespmem:s17+$0xA000] =	vst v4  }
0x45: {  	v4 =	vld.idx.msk [tilespmem:v3+s12+$0x0], $0xffff;
	_ =	sdelay $0x3  }
0x46: {  	v3 =	vmov v5;
	_ =	sdelay $0x1  }
0x47: {  	[tilespmem:s17+$0xC800] =	vst v4;
	s17 =	smov.u32 s18  }
0x48: {  	v4 =	vld.idx.msk [tilespmem:v5+s11+$0x0], $0xffff  }
.Ltmp3:
0x49: {  	(pc) =	sbr.rel @p0 .LBB2_7-.Ltmp3, $2  }
0x4a: {  	_ =	sdelay $0x2  }
0x4b: {  	s18 =	sshra.s32 s19, $0x2;
	s19 =	sadd.s32 $0x40, s19  }
0x4c: {  	_ =	sdelay $0x1  }
0x4d: {  	v5 =	vld [tilespmem:s18+$0x7800]  }
0x4e: {  	[tilespmem:s17+$0xA000] =	vst v4  }
0x4f: {  	v3 =	vld.idx.msk [tilespmem:v3+s12+$0x0], $0xffff;
	_ =	sdelay $0x4  }
0x50: {  	[tilespmem:s17+$0xC800] =	vst v3  }
0x51: {  	v3 =	vld.idx.msk [tilespmem:v5+s11+$0x0], $0xffff;
	_ =	sdelay $0x4  }
0x52: {  	[tilespmem:s18+$0xA000] =	vst v3  }
0x53: {  	v3 =	vld.idx.msk [tilespmem:v5+s12+$0x0], $0xffff;
	_ =	sdelay $0x4  }
0x54: {  	[tilespmem:s18+$0xC800] =	vst v3  }
0x55: {  	[hbm4b:s4+s9] =	stream.linear.scatter [tilespmem:s14], [sflag:$0x1], $0x2710, $0x38;
	[tilespmem:$0xF000] =	vst v63  }
0x56: {  	_ =	swait.ge [sflag:s10], $0x2710  }
0x57: {  	[sflag:s10] =	ssyncset.done $0x0  }
0x58: {  	[sflag:s10] =	ssyncadd.s32 $0xFFFFD8F0  }
0x59: {  	[hbm4b:s5+s9] =	stream.linear.scatter [tilespmem:s15], [sflag:$0x1], $0x2710, $0x38;
	[tilespmem:$0xF000] =	vst v63  }
0x5a: {  	s16 =	sadd.s32 $0x1, s16;
	_ =	swait.ge [sflag:s10], $0x2710  }
0x5b: {  	p0 =	sne.s32 s16, s8;
	[sflag:s10] =	ssyncset.done $0x0  }
.Ltmp4:
0x5c: {  	[sflag:s10] =	ssyncadd.s32 $0xFFFFD8F0;
	(pc) =	sbr.rel @p0 .LBB2_2-.Ltmp4, $4  }
0x5d: {  	[hbm4b:s7+s9] =	stream.linear.scatter [tilespmem:s13], [sflag:$0x1], $0x2800, $0x38;
	[tilespmem:$0xF000] =	vst v63  }
0x5e: {  	_ =	swait.ge [sflag:s10], $0x2800  }
0x5f: {  	[sflag:s10] =	ssyncset.done $0x0  }
0x60: {  	[sflag:s10] =	ssyncadd.s32 $0xFFFFD800  }
.LBB2_9:
0x61: {  	_ =	sfence.sel $0x180000  }
0x62: {  	[bflag:$0x0] =	sbarrier.arrive $0xFFFF  }
0x63: {  	p0 =	sne.s32 s1, $0x0;
	_ =	strace $0x9000004A  }
0x64: {  	s0 =	sadd.s32 @!p0 $0x100000, s3;
	[bflag:$0x2] =	sbarrier.arrive $0xFFFF  }
0x65: {  	[sflag:s0] =	ssyncadd.tile.s32 @!p0 $0x1;
	_ =	shalt  }
.Lfunc_end2:
_tile_overlayer_lowered:
.L_overlay_start_2:
0x66: {  	(tag) =	ssettag $0x2  }
0x67: {  	s0 =	rddreg [dreg:$0x0];
	s2 =	stileid.u32  }
0x68: {  	s1 =	rddreg [dreg:$0x1];
	p0 =	sne.s32 s2, $0x0  }
0x69: {  	s3 =	rddreg [dreg:$0x2];
	[bflag:$0x3] =	sbarrier.arrive $0xFFFF;
	s2 =	simm.s32 @!p0 $0x1C01  }
0x6a: {  	[timem:s3], [sflag:s2] =	dma.local @!p0 [hbm:s0], s1  }
0x6b: {  	s0 =	simm.s32 @!p0 $0x1  }
0x6c: {  	_ =	swait.ge @!p0 [sflag:s0], s1  }
0x6d: {  	s1 =	ssub.s32 @!p0 $0x0, s1;
	[sflag:s0] =	ssyncset.done @!p0 $0x0  }
0x6e: {  	[sflag:s0] =	ssyncadd.s32 @!p0 s1  }
0x6f: {  	[bflag:$0x3] =	sbarrier.arrive $0xFFFF  }
0x70: {  	_ =	shalt  }

</sc_bundles>
